<compile_context>
chip_gen: v7x
topology: tpu7x:2x2x1
jax: 0.10.2.dev20260603
libtpu: 0.0.44.dev20260713+nightly
codegen_flags: <defaults>
</compile_context>

<pallas_src>
import jax
import jax.numpy as jnp
from jax import lax
from jax.experimental import pallas as pl
from jax.experimental.pallas import tpu as pltpu
from jax.experimental.pallas import tpu_sc as plsc

NUM_CORES = 2
NUM_SUBCORES = 16
LANES = 16

NUM_ROWS = 1000000
BATCH = 16384
FACTORS = 64
F_PER_CORE = FACTORS // NUM_CORES
B_PER_TILE = BATCH // NUM_SUBCORES

CHUNK = 65536
ALIGNED_ROWS = 999936
TAIL_FULL = ALIGNED_ROWS - 15 * CHUNK
TAIL64 = NUM_ROWS - ALIGNED_ROWS


def _issue_slab(table_hbm, tail_hbm, f, slab, tail_v, sid, sem):
    @pl.when(sid < 15)
    def _():
        pltpu.async_copy(
            table_hbm.at[f].at[pl.ds(sid * CHUNK, CHUNK)],
            slab.at[pl.ds(sid * CHUNK, CHUNK)], sem)

    @pl.when(sid == 15)
    def _():
        pltpu.async_copy(
            table_hbm.at[f].at[pl.ds(15 * CHUNK, TAIL_FULL)],
            slab.at[pl.ds(15 * CHUNK, TAIL_FULL)], sem)
        pltpu.sync_copy(tail_hbm.at[pl.ds(f * TAIL64, TAIL64)], tail_v)
        pltpu.sync_copy(tail_v, slab.at[pl.ds(ALIGNED_ROWS, TAIL64)])


def _wait_slab(table_hbm, f, slab, sid, sem):
    @pl.when(sid < 15)
    def _():
        pltpu.make_async_copy(
            table_hbm.at[f].at[pl.ds(sid * CHUNK, CHUNK)],
            slab.at[pl.ds(sid * CHUNK, CHUNK)], sem).wait()

    @pl.when(sid == 15)
    def _():
        pltpu.make_async_copy(
            table_hbm.at[f].at[pl.ds(15 * CHUNK, TAIL_FULL)],
            slab.at[pl.ds(15 * CHUNK, TAIL_FULL)], sem).wait()


def _sc_body(uid_hbm, iid_hbm, ufT_hbm, ifT_hbm, uft_tail_hbm, ift_tail_hbm,
             pout_hbm,
             uids_v, iids_v, vals_u, vals_i, acc_v, tail_v, slab_a, slab_b,
             sem_a, sem_b, gather_sem):
    c = lax.axis_index("c")
    sid = lax.axis_index("s")
    bbase = sid * B_PER_TILE

    pltpu.sync_copy(uid_hbm.at[pl.ds(bbase, B_PER_TILE)], uids_v)
    pltpu.sync_copy(iid_hbm.at[pl.ds(bbase, B_PER_TILE)], iids_v)

    zeros = jnp.zeros((LANES,), jnp.float32)
    for i in range(B_PER_TILE // LANES):
        acc_v[pl.ds(i * LANES, LANES)] = zeros

    _issue_slab(ufT_hbm, uft_tail_hbm, c * F_PER_CORE, slab_a, tail_v,
                sid, sem_a)

    def step(t, _):
        f = c * F_PER_CORE + t

        _issue_slab(ifT_hbm, ift_tail_hbm, f, slab_b, tail_v, sid, sem_b)

        _wait_slab(ufT_hbm, f, slab_a, sid, sem_a)
        plsc.subcore_barrier()
        pltpu.async_copy(slab_a.at[uids_v], vals_u, gather_sem).wait()

        _wait_slab(ifT_hbm, f, slab_b, sid, sem_b)
        plsc.subcore_barrier()

        @pl.when(t < F_PER_CORE - 1)
        def _():
            _issue_slab(ufT_hbm, uft_tail_hbm, f + 1, slab_a, tail_v,
                        sid, sem_a)

        pltpu.async_copy(slab_b.at[iids_v], vals_i, gather_sem).wait()
        plsc.subcore_barrier()
        for i in range(B_PER_TILE // LANES):
            sl = pl.ds(i * LANES, LANES)
            plsc.addupdate(acc_v.at[sl], vals_u[sl] * vals_i[sl])
        return 0

    lax.fori_loop(0, F_PER_CORE, step, 0)

    pltpu.sync_copy(acc_v, pout_hbm.at[c].at[pl.ds(bbase, B_PER_TILE)])


def kernel(user_ids, item_ids, user_factors, item_factors):
    mesh = plsc.VectorSubcoreMesh(core_axis_name="c", subcore_axis_name="s")
    fn = pl.kernel(
        _sc_body,
        out_type=jax.ShapeDtypeStruct((NUM_CORES, BATCH), jnp.float32),
        mesh=mesh,
        scratch_types=[
            pltpu.VMEM((B_PER_TILE,), jnp.int32),
            pltpu.VMEM((B_PER_TILE,), jnp.int32),
            pltpu.VMEM((B_PER_TILE,), jnp.float32),
            pltpu.VMEM((B_PER_TILE,), jnp.float32),
            pltpu.VMEM((B_PER_TILE,), jnp.float32),
            pltpu.VMEM((TAIL64,), jnp.float32),
            pltpu.VMEM_SHARED((NUM_ROWS,), jnp.float32),
            pltpu.VMEM_SHARED((NUM_ROWS,), jnp.float32),
            pltpu.SemaphoreType.DMA,
            pltpu.SemaphoreType.DMA,
            pltpu.SemaphoreType.DMA,
        ],
        compiler_params=pltpu.CompilerParams(
            use_tc_tiling_on_sc=True, needs_layout_passes=False),
    )
    ufT = user_factors.T
    ifT = item_factors.T
    uft_tail = jnp.reshape(ufT[:, ALIGNED_ROWS:], (-1,))
    ift_tail = jnp.reshape(ifT[:, ALIGNED_ROWS:], (-1,))
    partials = fn(user_ids, item_ids, ufT, ifT, uft_tail, ift_tail)
    return partials[0] + partials[1]

# --- scband reference (transcript-rebuilt; emitter-appended) ---
"""Pipeline reference for scband-dynamic-matrix-factorization-15650860827010 (READ-ONLY COPY).

The authoritative reference and input builder live on the scoring server;
editing this copy changes nothing except your own understanding.
"""

import jax, jax.numpy as jnp
import numpy as np

NUM_USERS = 1000000
NUM_ITEMS = 1000000
NUM_FACTORS = 64
BATCH = 16384


def setup_inputs(seed: int = 0) -> dict:
    key = jax.random.key(seed)
    k1, k2, k3, k4 = jax.random.split(key, 4)
    user_ids = jax.random.randint(k1, (BATCH,), 0, NUM_USERS, dtype=jnp.int64) if jax.config.jax_enable_x64 else jax.random.randint(k1, (BATCH,), 0, NUM_USERS, dtype=jnp.int32)
    item_ids = jax.random.randint(k2, (BATCH,), 0, NUM_ITEMS, dtype=jnp.int32)
    user_ids = user_ids.astype(jnp.int32)
    user_factors = jax.random.normal(k3, (NUM_USERS, NUM_FACTORS), dtype=jnp.float32) * 0.01
    item_factors = jax.random.normal(k4, (NUM_ITEMS, NUM_FACTORS), dtype=jnp.float32) * 0.01
    return {
        "user_ids": user_ids,
        "item_ids": item_ids,
        "user_factors": user_factors,
        "item_factors": item_factors,
    }


def reference(user_ids, item_ids, user_factors, item_factors):
    # embedding lookups (gather)
    user_embeds = jnp.take(user_factors, user_ids, axis=0)  # [B, F]
    item_embeds = jnp.take(item_factors, item_ids, axis=0)  # [B, F]
    # elementwise product + reduce over factor dim, matching (u*i).sum(dim=1).squeeze(-1)
    out = jnp.sum(user_embeds * item_embeds, axis=1)  # [B]
    return out

if __name__ == "__main__":
    import jax
    _d = setup_inputs()
    print(jax.jit(kernel)(*tuple(_d.values())))

</pallas_src>

<mosaic_0001>
#map = affine_map<(d0, d1) -> (0)>
#map1 = affine_map<(d0, d1) -> (0, 0)>
module attributes {stable_mosaic.version = 14 : i64} {
  func.func @_sc_body(%arg0: i32, %arg1: i32, %arg2: memref<16384xi32, #tpu.memory_space<hbm>>, %arg3: memref<16384xi32, #tpu.memory_space<hbm>>, %arg4: memref<64x1000000xf32, #tpu.memory_space<hbm>>, %arg5: memref<64x1000000xf32, #tpu.memory_space<hbm>>, %arg6: memref<4096xf32, #tpu.memory_space<hbm>>, %arg7: memref<4096xf32, #tpu.memory_space<hbm>>, %arg8: memref<2x16384xf32, #tpu.memory_space<hbm>>, %arg9: memref<1024xi32, #tpu.memory_space<vmem>>, %arg10: memref<1024xi32, #tpu.memory_space<vmem>>, %arg11: memref<1024xf32, #tpu.memory_space<vmem>>, %arg12: memref<1024xf32, #tpu.memory_space<vmem>>, %arg13: memref<1024xf32, #tpu.memory_space<vmem>>, %arg14: memref<64xf32, #tpu.memory_space<vmem>>, %arg15: memref<1000000xf32, #tpu.memory_space<vmem_shared>>, %arg16: memref<1000000xf32, #tpu.memory_space<vmem_shared>>, %arg17: memref<!tpu.dma_semaphore, #tpu.memory_space<semaphore_mem>>, %arg18: memref<!tpu.dma_semaphore, #tpu.memory_space<semaphore_mem>>, %arg19: memref<!tpu.dma_semaphore, #tpu.memory_space<semaphore_mem>>) attributes {dimension_semantics = [#tpu.dimension_semantics<core_parallel>, #tpu.dimension_semantics<subcore_parallel>], iteration_bounds = array<i64: 2, 16>, scalar_prefetch = 0 : i64, scratch_operands = 11 : i64, tpu.core_type = #tpu.core_type<sc_vector_subcore>, window_params = [{transform_indices = #map}, {transform_indices = #map}, {transform_indices = #map1}, {transform_indices = #map1}, {transform_indices = #map}, {transform_indices = #map}, {transform_indices = #map1}]} {
    %mul3A = arith.constant 1024 : i32
    %mul3A_0 = arith.muli %arg1, %mul3A : i32
    "tpu.region"() ({
      %run_scoped3A = tpu.sem_alloc : memref<!tpu.dma_semaphore, #tpu.memory_space<semaphore_mem>>
      %dma_start3A = tpu.memref_slice %arg2[%mul3A_0] : memref<16384xi32, #tpu.memory_space<hbm>> -> memref<1024xi32, #tpu.memory_space<hbm>>
      %dma_start3A_143 = tpu.memref_slice %arg2[%mul3A_0] : memref<16384xi32, #tpu.memory_space<hbm>> -> memref<1024xi32, #tpu.memory_space<hbm>>
      tpu.enqueue_dma source(%dma_start3A_143 : memref<1024xi32, #tpu.memory_space<hbm>>) target(%arg9 : memref<1024xi32, #tpu.memory_space<vmem>>) target_semaphore(%run_scoped3A : memref<!tpu.dma_semaphore, #tpu.memory_space<semaphore_mem>>)
      %dma_wait3A = tpu.memref_slice %arg2[%mul3A_0] : memref<16384xi32, #tpu.memory_space<hbm>> -> memref<1024xi32, #tpu.memory_space<hbm>>
      %dma_wait3A_144 = tpu.memref_slice %arg2[%mul3A_0] : memref<16384xi32, #tpu.memory_space<hbm>> -> memref<1024xi32, #tpu.memory_space<hbm>>
      tpu.wait_dma2 semaphore(%run_scoped3A : memref<!tpu.dma_semaphore, #tpu.memory_space<semaphore_mem>>) src(%dma_wait3A_144 : memref<1024xi32, #tpu.memory_space<hbm>>) dst(%arg9 : memref<1024xi32, #tpu.memory_space<vmem>>)
      tpu.yield
    }) : () -> ()
    "tpu.region"() ({
      %run_scoped3A = tpu.sem_alloc : memref<!tpu.dma_semaphore, #tpu.memory_space<semaphore_mem>>
      %dma_start3A = tpu.memref_slice %arg3[%mul3A_0] : memref<16384xi32, #tpu.memory_space<hbm>> -> memref<1024xi32, #tpu.memory_space<hbm>>
      %dma_start3A_143 = tpu.memref_slice %arg3[%mul3A_0] : memref<16384xi32, #tpu.memory_space<hbm>> -> memref<1024xi32, #tpu.memory_space<hbm>>
      tpu.enqueue_dma source(%dma_start3A_143 : memref<1024xi32, #tpu.memory_space<hbm>>) target(%arg10 : memref<1024xi32, #tpu.memory_space<vmem>>) target_semaphore(%run_scoped3A : memref<!tpu.dma_semaphore, #tpu.memory_space<semaphore_mem>>)
      %dma_wait3A = tpu.memref_slice %arg3[%mul3A_0] : memref<16384xi32, #tpu.memory_space<hbm>> -> memref<1024xi32, #tpu.memory_space<hbm>>
      %dma_wait3A_144 = tpu.memref_slice %arg3[%mul3A_0] : memref<16384xi32, #tpu.memory_space<hbm>> -> memref<1024xi32, #tpu.memory_space<hbm>>
      tpu.wait_dma2 semaphore(%run_scoped3A : memref<!tpu.dma_semaphore, #tpu.memory_space<semaphore_mem>>) src(%dma_wait3A_144 : memref<1024xi32, #tpu.memory_space<hbm>>) dst(%arg10 : memref<1024xi32, #tpu.memory_space<vmem>>)
      tpu.yield
    }) : () -> ()
    %broadcast_in_dim3A = arith.constant 0.000000e+00 : f32
    %broadcast_in_dim3A_1 = vector.broadcast %broadcast_in_dim3A : f32 to vector<16xf32>
    %swap3A = arith.constant 0 : index
    %swap3A_2 = tpu.vector_load %arg13[%swap3A] {strides = array<i32>} : memref<1024xf32, #tpu.memory_space<vmem>>, vector<16xf32>,
    tpu.vector_store %arg13[%swap3A], %broadcast_in_dim3A_1 {strides = array<i32>} : memref<1024xf32, #tpu.memory_space<vmem>>, vector<16xf32>,
    %swap3A_3 = arith.constant 16 : index
    %swap3A_4 = tpu.vector_load %arg13[%swap3A_3] {strides = array<i32>} : memref<1024xf32, #tpu.memory_space<vmem>>, vector<16xf32>,
    tpu.vector_store %arg13[%swap3A_3], %broadcast_in_dim3A_1 {strides = array<i32>} : memref<1024xf32, #tpu.memory_space<vmem>>, vector<16xf32>,
    %swap3A_5 = arith.constant 32 : index
    %swap3A_6 = tpu.vector_load %arg13[%swap3A_5] {strides = array<i32>} : memref<1024xf32, #tpu.memory_space<vmem>>, vector<16xf32>,
    tpu.vector_store %arg13[%swap3A_5], %broadcast_in_dim3A_1 {strides = array<i32>} : memref<1024xf32, #tpu.memory_space<vmem>>, vector<16xf32>,
    %swap3A_7 = arith.constant 48 : index
    %swap3A_8 = tpu.vector_load %arg13[%swap3A_7] {strides = array<i32>} : memref<1024xf32, #tpu.memory_space<vmem>>, vector<16xf32>,
    tpu.vector_store %arg13[%swap3A_7], %broadcast_in_dim3A_1 {strides = array<i32>} : memref<1024xf32, #tpu.memory_space<vmem>>, vector<16xf32>,
    %swap3A_9 = arith.constant 64 : index
    %swap3A_10 = tpu.vector_load %arg13[%swap3A_9] {strides = array<i32>} : memref<1024xf32, #tpu.memory_space<vmem>>, vector<16xf32>,
    tpu.vector_store %arg13[%swap3A_9], %broadcast_in_dim3A_1 {strides = array<i32>} : memref<1024xf32, #tpu.memory_space<vmem>>, vector<16xf32>,
    %swap3A_11 = arith.constant 80 : index
    %swap3A_12 = tpu.vector_load %arg13[%swap3A_11] {strides = array<i32>} : memref<1024xf32, #tpu.memory_space<vmem>>, vector<16xf32>,
    tpu.vector_store %arg13[%swap3A_11], %broadcast_in_dim3A_1 {strides = array<i32>} : memref<1024xf32, #tpu.memory_space<vmem>>, vector<16xf32>,
    %swap3A_13 = arith.constant 96 : index
    %swap3A_14 = tpu.vector_load %arg13[%swap3A_13] {strides = array<i32>} : memref<1024xf32, #tpu.memory_space<vmem>>, vector<16xf32>,
    tpu.vector_store %arg13[%swap3A_13], %broadcast_in_dim3A_1 {strides = array<i32>} : memref<1024xf32, #tpu.memory_space<vmem>>, vector<16xf32>,
    %swap3A_15 = arith.constant 112 : index
    %swap3A_16 = tpu.vector_load %arg13[%swap3A_15] {strides = array<i32>} : memref<1024xf32, #tpu.memory_space<vmem>>, vector<16xf32>,
    tpu.vector_store %arg13[%swap3A_15], %broadcast_in_dim3A_1 {strides = array<i32>} : memref<1024xf32, #tpu.memory_space<vmem>>, vector<16xf32>,
    %swap3A_17 = arith.constant 128 : index
    %swap3A_18 = tpu.vector_load %arg13[%swap3A_17] {strides = array<i32>} : memref<1024xf32, #tpu.memory_space<vmem>>, vector<16xf32>,
    tpu.vector_store %arg13[%swap3A_17], %broadcast_in_dim3A_1 {strides = array<i32>} : memref<1024xf32, #tpu.memory_space<vmem>>, vector<16xf32>,
    %swap3A_19 = arith.constant 144 : index
    %swap3A_20 = tpu.vector_load %arg13[%swap3A_19] {strides = array<i32>} : memref<1024xf32, #tpu.memory_space<vmem>>, vector<16xf32>,
    tpu.vector_store %arg13[%swap3A_19], %broadcast_in_dim3A_1 {strides = array<i32>} : memref<1024xf32, #tpu.memory_space<vmem>>, vector<16xf32>,
    %swap3A_21 = arith.constant 160 : index
    %swap3A_22 = tpu.vector_load %arg13[%swap3A_21] {strides = array<i32>} : memref<1024xf32, #tpu.memory_space<vmem>>, vector<16xf32>,
    tpu.vector_store %arg13[%swap3A_21], %broadcast_in_dim3A_1 {strides = array<i32>} : memref<1024xf32, #tpu.memory_space<vmem>>, vector<16xf32>,
    %swap3A_23 = arith.constant 176 : index
    %swap3A_24 = tpu.vector_load %arg13[%swap3A_23] {strides = array<i32>} : memref<1024xf32, #tpu.memory_space<vmem>>, vector<16xf32>,
    tpu.vector_store %arg13[%swap3A_23], %broadcast_in_dim3A_1 {strides = array<i32>} : memref<1024xf32, #tpu.memory_space<vmem>>, vector<16xf32>,
    %swap3A_25 = arith.constant 192 : index
    %swap3A_26 = tpu.vector_load %arg13[%swap3A_25] {strides = array<i32>} : memref<1024xf32, #tpu.memory_space<vmem>>, vector<16xf32>,
    tpu.vector_store %arg13[%swap3A_25], %broadcast_in_dim3A_1 {strides = array<i32>} : memref<1024xf32, #tpu.memory_space<vmem>>, vector<16xf32>,
    %swap3A_27 = arith.constant 208 : index
    %swap3A_28 = tpu.vector_load %arg13[%swap3A_27] {strides = array<i32>} : memref<1024xf32, #tpu.memory_space<vmem>>, vector<16xf32>,
    tpu.vector_store %arg13[%swap3A_27], %broadcast_in_dim3A_1 {strides = array<i32>} : memref<1024xf32, #tpu.memory_space<vmem>>, vector<16xf32>,
    %swap3A_29 = arith.constant 224 : index
    %swap3A_30 = tpu.vector_load %arg13[%swap3A_29] {strides = array<i32>} : memref<1024xf32, #tpu.memory_space<vmem>>, vector<16xf32>,
    tpu.vector_store %arg13[%swap3A_29], %broadcast_in_dim3A_1 {strides = array<i32>} : memref<1024xf32, #tpu.memory_space<vmem>>, vector<16xf32>,
    %swap3A_31 = arith.constant 240 : index
    %swap3A_32 = tpu.vector_load %arg13[%swap3A_31] {strides = array<i32>} : memref<1024xf32, #tpu.memory_space<vmem>>, vector<16xf32>,
    tpu.vector_store %arg13[%swap3A_31], %broadcast_in_dim3A_1 {strides = array<i32>} : memref<1024xf32, #tpu.memory_space<vmem>>, vector<16xf32>,
    %swap3A_33 = arith.constant 256 : index
    %swap3A_34 = tpu.vector_load %arg13[%swap3A_33] {strides = array<i32>} : memref<1024xf32, #tpu.memory_space<vmem>>, vector<16xf32>,
    tpu.vector_store %arg13[%swap3A_33], %broadcast_in_dim3A_1 {strides = array<i32>} : memref<1024xf32, #tpu.memory_space<vmem>>, vector<16xf32>,
    %swap3A_35 = arith.constant 272 : index
    %swap3A_36 = tpu.vector_load %arg13[%swap3A_35] {strides = array<i32>} : memref<1024xf32, #tpu.memory_space<vmem>>, vector<16xf32>,
    tpu.vector_store %arg13[%swap3A_35], %broadcast_in_dim3A_1 {strides = array<i32>} : memref<1024xf32, #tpu.memory_space<vmem>>, vector<16xf32>,
    %swap3A_37 = arith.constant 288 : index
    %swap3A_38 = tpu.vector_load %arg13[%swap3A_37] {strides = array<i32>} : memref<1024xf32, #tpu.memory_space<vmem>>, vector<16xf32>,
    tpu.vector_store %arg13[%swap3A_37], %broadcast_in_dim3A_1 {strides = array<i32>} : memref<1024xf32, #tpu.memory_space<vmem>>, vector<16xf32>,
    %swap3A_39 = arith.constant 304 : index
    %swap3A_40 = tpu.vector_load %arg13[%swap3A_39] {strides = array<i32>} : memref<1024xf32, #tpu.memory_space<vmem>>, vector<16xf32>,
    tpu.vector_store %arg13[%swap3A_39], %broadcast_in_dim3A_1 {strides = array<i32>} : memref<1024xf32, #tpu.memory_space<vmem>>, vector<16xf32>,
    %swap3A_41 = arith.constant 320 : index
    %swap3A_42 = tpu.vector_load %arg13[%swap3A_41] {strides = array<i32>} : memref<1024xf32, #tpu.memory_space<vmem>>, vector<16xf32>,
    tpu.vector_store %arg13[%swap3A_41], %broadcast_in_dim3A_1 {strides = array<i32>} : memref<1024xf32, #tpu.memory_space<vmem>>, vector<16xf32>,
    %swap3A_43 = arith.constant 336 : index
    %swap3A_44 = tpu.vector_load %arg13[%swap3A_43] {strides = array<i32>} : memref<1024xf32, #tpu.memory_space<vmem>>, vector<16xf32>,
    tpu.vector_store %arg13[%swap3A_43], %broadcast_in_dim3A_1 {strides = array<i32>} : memref<1024xf32, #tpu.memory_space<vmem>>, vector<16xf32>,
    %swap3A_45 = arith.constant 352 : index
    %swap3A_46 = tpu.vector_load %arg13[%swap3A_45] {strides = array<i32>} : memref<1024xf32, #tpu.memory_space<vmem>>, vector<16xf32>,
    tpu.vector_store %arg13[%swap3A_45], %broadcast_in_dim3A_1 {strides = array<i32>} : memref<1024xf32, #tpu.memory_space<vmem>>, vector<16xf32>,
    %swap3A_47 = arith.constant 368 : index
    %swap3A_48 = tpu.vector_load %arg13[%swap3A_47] {strides = array<i32>} : memref<1024xf32, #tpu.memory_space<vmem>>, vector<16xf32>,
    tpu.vector_store %arg13[%swap3A_47], %broadcast_in_dim3A_1 {strides = array<i32>} : memref<1024xf32, #tpu.memory_space<vmem>>, vector<16xf32>,
    %swap3A_49 = arith.constant 384 : index
    %swap3A_50 = tpu.vector_load %arg13[%swap3A_49] {strides = array<i32>} : memref<1024xf32, #tpu.memory_space<vmem>>, vector<16xf32>,
    tpu.vector_store %arg13[%swap3A_49], %broadcast_in_dim3A_1 {strides = array<i32>} : memref<1024xf32, #tpu.memory_space<vmem>>, vector<16xf32>,
    %swap3A_51 = arith.constant 400 : index
    %swap3A_52 = tpu.vector_load %arg13[%swap3A_51] {strides = array<i32>} : memref<1024xf32, #tpu.memory_space<vmem>>, vector<16xf32>,
    tpu.vector_store %arg13[%swap3A_51], %broadcast_in_dim3A_1 {strides = array<i32>} : memref<1024xf32, #tpu.memory_space<vmem>>, vector<16xf32>,
    %swap3A_53 = arith.constant 416 : index
    %swap3A_54 = tpu.vector_load %arg13[%swap3A_53] {strides = array<i32>} : memref<1024xf32, #tpu.memory_space<vmem>>, vector<16xf32>,
    tpu.vector_store %arg13[%swap3A_53], %broadcast_in_dim3A_1 {strides = array<i32>} : memref<1024xf32, #tpu.memory_space<vmem>>, vector<16xf32>,
    %swap3A_55 = arith.constant 432 : index
    %swap3A_56 = tpu.vector_load %arg13[%swap3A_55] {strides = array<i32>} : memref<1024xf32, #tpu.memory_space<vmem>>, vector<16xf32>,
    tpu.vector_store %arg13[%swap3A_55], %broadcast_in_dim3A_1 {strides = array<i32>} : memref<1024xf32, #tpu.memory_space<vmem>>, vector<16xf32>,
    %swap3A_57 = arith.constant 448 : index
    %swap3A_58 = tpu.vector_load %arg13[%swap3A_57] {strides = array<i32>} : memref<1024xf32, #tpu.memory_space<vmem>>, vector<16xf32>,
    tpu.vector_store %arg13[%swap3A_57], %broadcast_in_dim3A_1 {strides = array<i32>} : memref<1024xf32, #tpu.memory_space<vmem>>, vector<16xf32>,
    %swap3A_59 = arith.constant 464 : index
    %swap3A_60 = tpu.vector_load %arg13[%swap3A_59] {strides = array<i32>} : memref<1024xf32, #tpu.memory_space<vmem>>, vector<16xf32>,
    tpu.vector_store %arg13[%swap3A_59], %broadcast_in_dim3A_1 {strides = array<i32>} : memref<1024xf32, #tpu.memory_space<vmem>>, vector<16xf32>,
    %swap3A_61 = arith.constant 480 : index
    %swap3A_62 = tpu.vector_load %arg13[%swap3A_61] {strides = array<i32>} : memref<1024xf32, #tpu.memory_space<vmem>>, vector<16xf32>,
    tpu.vector_store %arg13[%swap3A_61], %broadcast_in_dim3A_1 {strides = array<i32>} : memref<1024xf32, #tpu.memory_space<vmem>>, vector<16xf32>,
    %swap3A_63 = arith.constant 496 : index
    %swap3A_64 = tpu.vector_load %arg13[%swap3A_63] {strides = array<i32>} : memref<1024xf32, #tpu.memory_space<vmem>>, vector<16xf32>,
    tpu.vector_store %arg13[%swap3A_63], %broadcast_in_dim3A_1 {strides = array<i32>} : memref<1024xf32, #tpu.memory_space<vmem>>, vector<16xf32>,
    %swap3A_65 = arith.constant 512 : index
    %swap3A_66 = tpu.vector_load %arg13[%swap3A_65] {strides = array<i32>} : memref<1024xf32, #tpu.memory_space<vmem>>, vector<16xf32>,
    tpu.vector_store %arg13[%swap3A_65], %broadcast_in_dim3A_1 {strides = array<i32>} : memref<1024xf32, #tpu.memory_space<vmem>>, vector<16xf32>,
    %swap3A_67 = arith.constant 528 : index
    %swap3A_68 = tpu.vector_load %arg13[%swap3A_67] {strides = array<i32>} : memref<1024xf32, #tpu.memory_space<vmem>>, vector<16xf32>,
    tpu.vector_store %arg13[%swap3A_67], %broadcast_in_dim3A_1 {strides = array<i32>} : memref<1024xf32, #tpu.memory_space<vmem>>, vector<16xf32>,
    %swap3A_69 = arith.constant 544 : index
    %swap3A_70 = tpu.vector_load %arg13[%swap3A_69] {strides = array<i32>} : memref<1024xf32, #tpu.memory_space<vmem>>, vector<16xf32>,
    tpu.vector_store %arg13[%swap3A_69], %broadcast_in_dim3A_1 {strides = array<i32>} : memref<1024xf32, #tpu.memory_space<vmem>>, vector<16xf32>,
    %swap3A_71 = arith.constant 560 : index
    %swap3A_72 = tpu.vector_load %arg13[%swap3A_71] {strides = array<i32>} : memref<1024xf32, #tpu.memory_space<vmem>>, vector<16xf32>,
    tpu.vector_store %arg13[%swap3A_71], %broadcast_in_dim3A_1 {strides = array<i32>} : memref<1024xf32, #tpu.memory_space<vmem>>, vector<16xf32>,
    %swap3A_73 = arith.constant 576 : index
    %swap3A_74 = tpu.vector_load %arg13[%swap3A_73] {strides = array<i32>} : memref<1024xf32, #tpu.memory_space<vmem>>, vector<16xf32>,
    tpu.vector_store %arg13[%swap3A_73], %broadcast_in_dim3A_1 {strides = array<i32>} : memref<1024xf32, #tpu.memory_space<vmem>>, vector<16xf32>,
    %swap3A_75 = arith.constant 592 : index
    %swap3A_76 = tpu.vector_load %arg13[%swap3A_75] {strides = array<i32>} : memref<1024xf32, #tpu.memory_space<vmem>>, vector<16xf32>,
    tpu.vector_store %arg13[%swap3A_75], %broadcast_in_dim3A_1 {strides = array<i32>} : memref<1024xf32, #tpu.memory_space<vmem>>, vector<16xf32>,
    %swap3A_77 = arith.constant 608 : index
    %swap3A_78 = tpu.vector_load %arg13[%swap3A_77] {strides = array<i32>} : memref<1024xf32, #tpu.memory_space<vmem>>, vector<16xf32>,
    tpu.vector_store %arg13[%swap3A_77], %broadcast_in_dim3A_1 {strides = array<i32>} : memref<1024xf32, #tpu.memory_space<vmem>>, vector<16xf32>,
    %swap3A_79 = arith.constant 624 : index
    %swap3A_80 = tpu.vector_load %arg13[%swap3A_79] {strides = array<i32>} : memref<1024xf32, #tpu.memory_space<vmem>>, vector<16xf32>,
    tpu.vector_store %arg13[%swap3A_79], %broadcast_in_dim3A_1 {strides = array<i32>} : memref<1024xf32, #tpu.memory_space<vmem>>, vector<16xf32>,
    %swap3A_81 = arith.constant 640 : index
    %swap3A_82 = tpu.vector_load %arg13[%swap3A_81] {strides = array<i32>} : memref<1024xf32, #tpu.memory_space<vmem>>, vector<16xf32>,
    tpu.vector_store %arg13[%swap3A_81], %broadcast_in_dim3A_1 {strides = array<i32>} : memref<1024xf32, #tpu.memory_space<vmem>>, vector<16xf32>,
    %swap3A_83 = arith.constant 656 : index
    %swap3A_84 = tpu.vector_load %arg13[%swap3A_83] {strides = array<i32>} : memref<1024xf32, #tpu.memory_space<vmem>>, vector<16xf32>,
    tpu.vector_store %arg13[%swap3A_83], %broadcast_in_dim3A_1 {strides = array<i32>} : memref<1024xf32, #tpu.memory_space<vmem>>, vector<16xf32>,
    %swap3A_85 = arith.constant 672 : index
    %swap3A_86 = tpu.vector_load %arg13[%swap3A_85] {strides = array<i32>} : memref<1024xf32, #tpu.memory_space<vmem>>, vector<16xf32>,
    tpu.vector_store %arg13[%swap3A_85], %broadcast_in_dim3A_1 {strides = array<i32>} : memref<1024xf32, #tpu.memory_space<vmem>>, vector<16xf32>,
    %swap3A_87 = arith.constant 688 : index
    %swap3A_88 = tpu.vector_load %arg13[%swap3A_87] {strides = array<i32>} : memref<1024xf32, #tpu.memory_space<vmem>>, vector<16xf32>,
    tpu.vector_store %arg13[%swap3A_87], %broadcast_in_dim3A_1 {strides = array<i32>} : memref<1024xf32, #tpu.memory_space<vmem>>, vector<16xf32>,
    %swap3A_89 = arith.constant 704 : index
    %swap3A_90 = tpu.vector_load %arg13[%swap3A_89] {strides = array<i32>} : memref<1024xf32, #tpu.memory_space<vmem>>, vector<16xf32>,
    tpu.vector_store %arg13[%swap3A_89], %broadcast_in_dim3A_1 {strides = array<i32>} : memref<1024xf32, #tpu.memory_space<vmem>>, vector<16xf32>,
    %swap3A_91 = arith.constant 720 : index
    %swap3A_92 = tpu.vector_load %arg13[%swap3A_91] {strides = array<i32>} : memref<1024xf32, #tpu.memory_space<vmem>>, vector<16xf32>,
    tpu.vector_store %arg13[%swap3A_91], %broadcast_in_dim3A_1 {strides = array<i32>} : memref<1024xf32, #tpu.memory_space<vmem>>, vector<16xf32>,
    %swap3A_93 = arith.constant 736 : index
    %swap3A_94 = tpu.vector_load %arg13[%swap3A_93] {strides = array<i32>} : memref<1024xf32, #tpu.memory_space<vmem>>, vector<16xf32>,
    tpu.vector_store %arg13[%swap3A_93], %broadcast_in_dim3A_1 {strides = array<i32>} : memref<1024xf32, #tpu.memory_space<vmem>>, vector<16xf32>,
    %swap3A_95 = arith.constant 752 : index
    %swap3A_96 = tpu.vector_load %arg13[%swap3A_95] {strides = array<i32>} : memref<1024xf32, #tpu.memory_space<vmem>>, vector<16xf32>,
    tpu.vector_store %arg13[%swap3A_95], %broadcast_in_dim3A_1 {strides = array<i32>} : memref<1024xf32, #tpu.memory_space<vmem>>, vector<16xf32>,
    %swap3A_97 = arith.constant 768 : index
    %swap3A_98 = tpu.vector_load %arg13[%swap3A_97] {strides = array<i32>} : memref<1024xf32, #tpu.memory_space<vmem>>, vector<16xf32>,
    tpu.vector_store %arg13[%swap3A_97], %broadcast_in_dim3A_1 {strides = array<i32>} : memref<1024xf32, #tpu.memory_space<vmem>>, vector<16xf32>,
    %swap3A_99 = arith.constant 784 : index
    %swap3A_100 = tpu.vector_load %arg13[%swap3A_99] {strides = array<i32>} : memref<1024xf32, #tpu.memory_space<vmem>>, vector<16xf32>,
    tpu.vector_store %arg13[%swap3A_99], %broadcast_in_dim3A_1 {strides = array<i32>} : memref<1024xf32, #tpu.memory_space<vmem>>, vector<16xf32>,
    %swap3A_101 = arith.constant 800 : index
    %swap3A_102 = tpu.vector_load %arg13[%swap3A_101] {strides = array<i32>} : memref<1024xf32, #tpu.memory_space<vmem>>, vector<16xf32>,
    tpu.vector_store %arg13[%swap3A_101], %broadcast_in_dim3A_1 {strides = array<i32>} : memref<1024xf32, #tpu.memory_space<vmem>>, vector<16xf32>,
    %swap3A_103 = arith.constant 816 : index
    %swap3A_104 = tpu.vector_load %arg13[%swap3A_103] {strides = array<i32>} : memref<1024xf32, #tpu.memory_space<vmem>>, vector<16xf32>,
    tpu.vector_store %arg13[%swap3A_103], %broadcast_in_dim3A_1 {strides = array<i32>} : memref<1024xf32, #tpu.memory_space<vmem>>, vector<16xf32>,
    %swap3A_105 = arith.constant 832 : index
    %swap3A_106 = tpu.vector_load %arg13[%swap3A_105] {strides = array<i32>} : memref<1024xf32, #tpu.memory_space<vmem>>, vector<16xf32>,
    tpu.vector_store %arg13[%swap3A_105], %broadcast_in_dim3A_1 {strides = array<i32>} : memref<1024xf32, #tpu.memory_space<vmem>>, vector<16xf32>,
    %swap3A_107 = arith.constant 848 : index
    %swap3A_108 = tpu.vector_load %arg13[%swap3A_107] {strides = array<i32>} : memref<1024xf32, #tpu.memory_space<vmem>>, vector<16xf32>,
    tpu.vector_store %arg13[%swap3A_107], %broadcast_in_dim3A_1 {strides = array<i32>} : memref<1024xf32, #tpu.memory_space<vmem>>, vector<16xf32>,
    %swap3A_109 = arith.constant 864 : index
    %swap3A_110 = tpu.vector_load %arg13[%swap3A_109] {strides = array<i32>} : memref<1024xf32, #tpu.memory_space<vmem>>, vector<16xf32>,
    tpu.vector_store %arg13[%swap3A_109], %broadcast_in_dim3A_1 {strides = array<i32>} : memref<1024xf32, #tpu.memory_space<vmem>>, vector<16xf32>,
    %swap3A_111 = arith.constant 880 : index
    %swap3A_112 = tpu.vector_load %arg13[%swap3A_111] {strides = array<i32>} : memref<1024xf32, #tpu.memory_space<vmem>>, vector<16xf32>,
    tpu.vector_store %arg13[%swap3A_111], %broadcast_in_dim3A_1 {strides = array<i32>} : memref<1024xf32, #tpu.memory_space<vmem>>, vector<16xf32>,
    %swap3A_113 = arith.constant 896 : index
    %swap3A_114 = tpu.vector_load %arg13[%swap3A_113] {strides = array<i32>} : memref<1024xf32, #tpu.memory_space<vmem>>, vector<16xf32>,
    tpu.vector_store %arg13[%swap3A_113], %broadcast_in_dim3A_1 {strides = array<i32>} : memref<1024xf32, #tpu.memory_space<vmem>>, vector<16xf32>,
    %swap3A_115 = arith.constant 912 : index
    %swap3A_116 = tpu.vector_load %arg13[%swap3A_115] {strides = array<i32>} : memref<1024xf32, #tpu.memory_space<vmem>>, vector<16xf32>,
    tpu.vector_store %arg13[%swap3A_115], %broadcast_in_dim3A_1 {strides = array<i32>} : memref<1024xf32, #tpu.memory_space<vmem>>, vector<16xf32>,
    %swap3A_117 = arith.constant 928 : index
    %swap3A_118 = tpu.vector_load %arg13[%swap3A_117] {strides = array<i32>} : memref<1024xf32, #tpu.memory_space<vmem>>, vector<16xf32>,
    tpu.vector_store %arg13[%swap3A_117], %broadcast_in_dim3A_1 {strides = array<i32>} : memref<1024xf32, #tpu.memory_space<vmem>>, vector<16xf32>,
    %swap3A_119 = arith.constant 944 : index
    %swap3A_120 = tpu.vector_load %arg13[%swap3A_119] {strides = array<i32>} : memref<1024xf32, #tpu.memory_space<vmem>>, vector<16xf32>,
    tpu.vector_store %arg13[%swap3A_119], %broadcast_in_dim3A_1 {strides = array<i32>} : memref<1024xf32, #tpu.memory_space<vmem>>, vector<16xf32>,
    %swap3A_121 = arith.constant 960 : index
    %swap3A_122 = tpu.vector_load %arg13[%swap3A_121] {strides = array<i32>} : memref<1024xf32, #tpu.memory_space<vmem>>, vector<16xf32>,
    tpu.vector_store %arg13[%swap3A_121], %broadcast_in_dim3A_1 {strides = array<i32>} : memref<1024xf32, #tpu.memory_space<vmem>>, vector<16xf32>,
    %swap3A_123 = arith.constant 976 : index
    %swap3A_124 = tpu.vector_load %arg13[%swap3A_123] {strides = array<i32>} : memref<1024xf32, #tpu.memory_space<vmem>>, vector<16xf32>,
    tpu.vector_store %arg13[%swap3A_123], %broadcast_in_dim3A_1 {strides = array<i32>} : memref<1024xf32, #tpu.memory_space<vmem>>, vector<16xf32>,
    %swap3A_125 = arith.constant 992 : index
    %swap3A_126 = tpu.vector_load %arg13[%swap3A_125] {strides = array<i32>} : memref<1024xf32, #tpu.memory_space<vmem>>, vector<16xf32>,
    tpu.vector_store %arg13[%swap3A_125], %broadcast_in_dim3A_1 {strides = array<i32>} : memref<1024xf32, #tpu.memory_space<vmem>>, vector<16xf32>,
    %swap3A_127 = arith.constant 1008 : index
    %swap3A_128 = tpu.vector_load %arg13[%swap3A_127] {strides = array<i32>} : memref<1024xf32, #tpu.memory_space<vmem>>, vector<16xf32>,
    tpu.vector_store %arg13[%swap3A_127], %broadcast_in_dim3A_1 {strides = array<i32>} : memref<1024xf32, #tpu.memory_space<vmem>>, vector<16xf32>,
    %mul3A_129 = arith.constant 32 : i32
    %mul3A_130 = arith.muli %arg0, %mul3A_129 : i32
    %lt3A = arith.constant 15 : i32
    %lt3A_131 = arith.cmpi slt, %arg1, %lt3A : i32
    %convert_element_type3A = arith.extui %lt3A_131 : i1 to i32
    %cond3A = arith.constant 0 : i32
    %cond3A_132 = arith.cmpi ne, %convert_element_type3A, %cond3A : i32
    scf.if %cond3A_132 {
      %mul3A_143 = arith.constant 65536 : i32
      %mul3A_144 = arith.muli %arg1, %mul3A_143 : i32
      %mul3A_145 = arith.constant 65536 : i32
      %mul3A_146 = arith.muli %arg1, %mul3A_145 : i32
      %dma_start3A = tpu.memref_slice %arg15[%mul3A_146] : memref<1000000xf32, #tpu.memory_space<vmem_shared>> -> memref<65536xf32, #tpu.memory_space<vmem_shared>>
      %dma_start3A_147 = arith.constant 0 : i32
      %dma_start3A_148 = tpu.memref_slice %arg4[%mul3A_130, %dma_start3A_147] : memref<64x1000000xf32, #tpu.memory_space<hbm>> -> memref<1x1000000xf32, #tpu.memory_space<hbm>>
      %dma_start3A_149 = tpu.memref_squeeze %dma_start3A_148 : memref<1x1000000xf32, #tpu.memory_space<hbm>> -> memref<1000000xf32, #tpu.memory_space<hbm>>
      %dma_start3A_150 = tpu.memref_slice %dma_start3A_149[%mul3A_144] : memref<1000000xf32, #tpu.memory_space<hbm>> -> memref<65536xf32, #tpu.memory_space<hbm>>
      tpu.enqueue_dma source(%dma_start3A_150 : memref<65536xf32, #tpu.memory_space<hbm>>) target(%dma_start3A : memref<65536xf32, #tpu.memory_space<vmem_shared>>) target_semaphore(%arg17 : memref<!tpu.dma_semaphore, #tpu.memory_space<semaphore_mem>>)
    } else {
    }
    %eq3A = arith.constant 15 : i32
    %eq3A_133 = arith.cmpi eq, %arg1, %eq3A : i32
    %convert_element_type3A_134 = arith.extui %eq3A_133 : i1 to i32
    %cond3A_135 = arith.constant 0 : i32
    %cond3A_136 = arith.cmpi ne, %convert_element_type3A_134, %cond3A_135 : i32
    scf.if %cond3A_136 {
      %dma_start3A = arith.constant 983040 : i32
      %dma_start3A_143 = tpu.memref_slice %arg15[%dma_start3A] : memref<1000000xf32, #tpu.memory_space<vmem_shared>> -> memref<16896xf32, #tpu.memory_space<vmem_shared>>
      %dma_start3A_144 = arith.constant 0 : i32
      %dma_start3A_145 = tpu.memref_slice %arg4[%mul3A_130, %dma_start3A_144] : memref<64x1000000xf32, #tpu.memory_space<hbm>> -> memref<1x1000000xf32, #tpu.memory_space<hbm>>
      %dma_start3A_146 = tpu.memref_squeeze %dma_start3A_145 : memref<1x1000000xf32, #tpu.memory_space<hbm>> -> memref<1000000xf32, #tpu.memory_space<hbm>>
      %dma_start3A_147 = arith.constant 983040 : i32
      %dma_start3A_148 = tpu.memref_slice %dma_start3A_146[%dma_start3A_147] : memref<1000000xf32, #tpu.memory_space<hbm>> -> memref<16896xf32, #tpu.memory_space<hbm>>
      tpu.enqueue_dma source(%dma_start3A_148 : memref<16896xf32, #tpu.memory_space<hbm>>) target(%dma_start3A_143 : memref<16896xf32, #tpu.memory_space<vmem_shared>>) target_semaphore(%arg17 : memref<!tpu.dma_semaphore, #tpu.memory_space<semaphore_mem>>)
      %mul3A_149 = arith.constant 64 : i32
      %mul3A_150 = arith.muli %mul3A_130, %mul3A_149 : i32
      "tpu.region"() ({
        %run_scoped3A = tpu.sem_alloc : memref<!tpu.dma_semaphore, #tpu.memory_space<semaphore_mem>>
        %dma_start3A_151 = tpu.memref_slice %arg6[%mul3A_150] : memref<4096xf32, #tpu.memory_space<hbm>> -> memref<64xf32, #tpu.memory_space<hbm>>
        %dma_start3A_152 = tpu.memref_slice %arg6[%mul3A_150] : memref<4096xf32, #tpu.memory_space<hbm>> -> memref<64xf32, #tpu.memory_space<hbm>>
        tpu.enqueue_dma source(%dma_start3A_152 : memref<64xf32, #tpu.memory_space<hbm>>) target(%arg14 : memref<64xf32, #tpu.memory_space<vmem>>) target_semaphore(%run_scoped3A : memref<!tpu.dma_semaphore, #tpu.memory_space<semaphore_mem>>)
        %dma_wait3A = tpu.memref_slice %arg6[%mul3A_150] : memref<4096xf32, #tpu.memory_space<hbm>> -> memref<64xf32, #tpu.memory_space<hbm>>
        %dma_wait3A_153 = tpu.memref_slice %arg6[%mul3A_150] : memref<4096xf32, #tpu.memory_space<hbm>> -> memref<64xf32, #tpu.memory_space<hbm>>
        tpu.wait_dma2 semaphore(%run_scoped3A : memref<!tpu.dma_semaphore, #tpu.memory_space<semaphore_mem>>) src(%dma_wait3A_153 : memref<64xf32, #tpu.memory_space<hbm>>) dst(%arg14 : memref<64xf32, #tpu.memory_space<vmem>>)
        tpu.yield
      }) : () -> ()
      "tpu.region"() ({
        %run_scoped3A = tpu.sem_alloc : memref<!tpu.dma_semaphore, #tpu.memory_space<semaphore_mem>>
        %dma_start3A_151 = arith.constant 999936 : i32
        %dma_start3A_152 = tpu.memref_slice %arg15[%dma_start3A_151] : memref<1000000xf32, #tpu.memory_space<vmem_shared>> -> memref<64xf32, #tpu.memory_space<vmem_shared>>
        %dma_start3A_153 = arith.constant 999936 : i32
        %dma_start3A_154 = tpu.memref_slice %arg15[%dma_start3A_153] : memref<1000000xf32, #tpu.memory_space<vmem_shared>> -> memref<64xf32, #tpu.memory_space<vmem_shared>>
        tpu.enqueue_dma source(%arg14 : memref<64xf32, #tpu.memory_space<vmem>>) target(%dma_start3A_154 : memref<64xf32, #tpu.memory_space<vmem_shared>>) target_semaphore(%run_scoped3A : memref<!tpu.dma_semaphore, #tpu.memory_space<semaphore_mem>>)
        %dma_wait3A = arith.constant 999936 : i32
        %dma_wait3A_155 = tpu.memref_slice %arg15[%dma_wait3A] : memref<1000000xf32, #tpu.memory_space<vmem_shared>> -> memref<64xf32, #tpu.memory_space<vmem_shared>>
        %dma_wait3A_156 = arith.constant 999936 : i32
        %dma_wait3A_157 = tpu.memref_slice %arg15[%dma_wait3A_156] : memref<1000000xf32, #tpu.memory_space<vmem_shared>> -> memref<64xf32, #tpu.memory_space<vmem_shared>>
        tpu.wait_dma2 semaphore(%run_scoped3A : memref<!tpu.dma_semaphore, #tpu.memory_space<semaphore_mem>>) src(%arg14 : memref<64xf32, #tpu.memory_space<vmem>>) dst(%dma_wait3A_157 : memref<64xf32, #tpu.memory_space<vmem_shared>>)
        tpu.yield
      }) : () -> ()
    } else {
    }
    %scan3A = arith.constant 0 : i32
    %scan3A_137 = arith.constant 0 : i32
    %scan3A_138 = arith.constant 32 : i32
    %scan3A_139 = arith.addi %scan3A_137, %scan3A_138 : i32
    %scan3A_140 = arith.constant 1 : i32
    %scan3A_141 = scf.for %scan3A_143 = %scan3A_137 to %scan3A_139 step %scan3A_140 iter_args(%scan3A_144 = %scan3A) -> (i32)  : i32 {
      %mul3A_145 = arith.constant 32 : i32
      %mul3A_146 = arith.muli %arg0, %mul3A_145 : i32
      %add3A = arith.addi %mul3A_146, %scan3A_143 : i32
      %lt3A_147 = arith.constant 15 : i32
      %lt3A_148 = arith.cmpi slt, %arg1, %lt3A_147 : i32
      %convert_element_type3A_149 = arith.extui %lt3A_148 : i1 to i32
      %cond3A_150 = arith.constant 0 : i32
      %cond3A_151 = arith.cmpi ne, %convert_element_type3A_149, %cond3A_150 : i32
      scf.if %cond3A_151 {
        %mul3A_638 = arith.constant 65536 : i32
        %mul3A_639 = arith.muli %arg1, %mul3A_638 : i32
        %mul3A_640 = arith.constant 65536 : i32
        %mul3A_641 = arith.muli %arg1, %mul3A_640 : i32
        %dma_start3A_642 = tpu.memref_slice %arg16[%mul3A_641] : memref<1000000xf32, #tpu.memory_space<vmem_shared>> -> memref<65536xf32, #tpu.memory_space<vmem_shared>>
        %dma_start3A_643 = arith.constant 0 : i32
        %dma_start3A_644 = tpu.memref_slice %arg5[%add3A, %dma_start3A_643] : memref<64x1000000xf32, #tpu.memory_space<hbm>> -> memref<1x1000000xf32, #tpu.memory_space<hbm>>
        %dma_start3A_645 = tpu.memref_squeeze %dma_start3A_644 : memref<1x1000000xf32, #tpu.memory_space<hbm>> -> memref<1000000xf32, #tpu.memory_space<hbm>>
        %dma_start3A_646 = tpu.memref_slice %dma_start3A_645[%mul3A_639] : memref<1000000xf32, #tpu.memory_space<hbm>> -> memref<65536xf32, #tpu.memory_space<hbm>>
        tpu.enqueue_dma source(%dma_start3A_646 : memref<65536xf32, #tpu.memory_space<hbm>>) target(%dma_start3A_642 : memref<65536xf32, #tpu.memory_space<vmem_shared>>) target_semaphore(%arg18 : memref<!tpu.dma_semaphore, #tpu.memory_space<semaphore_mem>>)
      } else {
      }
      %eq3A_152 = arith.constant 15 : i32
      %eq3A_153 = arith.cmpi eq, %arg1, %eq3A_152 : i32
      %convert_element_type3A_154 = arith.extui %eq3A_153 : i1 to i32
      %cond3A_155 = arith.constant 0 : i32
      %cond3A_156 = arith.cmpi ne, %convert_element_type3A_154, %cond3A_155 : i32
      scf.if %cond3A_156 {
        %dma_start3A_638 = arith.constant 983040 : i32
        %dma_start3A_639 = tpu.memref_slice %arg16[%dma_start3A_638] : memref<1000000xf32, #tpu.memory_space<vmem_shared>> -> memref<16896xf32, #tpu.memory_space<vmem_shared>>
        %dma_start3A_640 = arith.constant 0 : i32
        %dma_start3A_641 = tpu.memref_slice %arg5[%add3A, %dma_start3A_640] : memref<64x1000000xf32, #tpu.memory_space<hbm>> -> memref<1x1000000xf32, #tpu.memory_space<hbm>>
        %dma_start3A_642 = tpu.memref_squeeze %dma_start3A_641 : memref<1x1000000xf32, #tpu.memory_space<hbm>> -> memref<1000000xf32, #tpu.memory_space<hbm>>
        %dma_start3A_643 = arith.constant 983040 : i32
        %dma_start3A_644 = tpu.memref_slice %dma_start3A_642[%dma_start3A_643] : memref<1000000xf32, #tpu.memory_space<hbm>> -> memref<16896xf32, #tpu.memory_space<hbm>>
        tpu.enqueue_dma source(%dma_start3A_644 : memref<16896xf32, #tpu.memory_space<hbm>>) target(%dma_start3A_639 : memref<16896xf32, #tpu.memory_space<vmem_shared>>) target_semaphore(%arg18 : memref<!tpu.dma_semaphore, #tpu.memory_space<semaphore_mem>>)
        %mul3A_645 = arith.constant 64 : i32
        %mul3A_646 = arith.muli %add3A, %mul3A_645 : i32
        "tpu.region"() ({
          %run_scoped3A = tpu.sem_alloc : memref<!tpu.dma_semaphore, #tpu.memory_space<semaphore_mem>>
          %dma_start3A_647 = tpu.memref_slice %arg7[%mul3A_646] : memref<4096xf32, #tpu.memory_space<hbm>> -> memref<64xf32, #tpu.memory_space<hbm>>
          %dma_start3A_648 = tpu.memref_slice %arg7[%mul3A_646] : memref<4096xf32, #tpu.memory_space<hbm>> -> memref<64xf32, #tpu.memory_space<hbm>>
          tpu.enqueue_dma source(%dma_start3A_648 : memref<64xf32, #tpu.memory_space<hbm>>) target(%arg14 : memref<64xf32, #tpu.memory_space<vmem>>) target_semaphore(%run_scoped3A : memref<!tpu.dma_semaphore, #tpu.memory_space<semaphore_mem>>)
          %dma_wait3A_649 = tpu.memref_slice %arg7[%mul3A_646] : memref<4096xf32, #tpu.memory_space<hbm>> -> memref<64xf32, #tpu.memory_space<hbm>>
          %dma_wait3A_650 = tpu.memref_slice %arg7[%mul3A_646] : memref<4096xf32, #tpu.memory_space<hbm>> -> memref<64xf32, #tpu.memory_space<hbm>>
          tpu.wait_dma2 semaphore(%run_scoped3A : memref<!tpu.dma_semaphore, #tpu.memory_space<semaphore_mem>>) src(%dma_wait3A_650 : memref<64xf32, #tpu.memory_space<hbm>>) dst(%arg14 : memref<64xf32, #tpu.memory_space<vmem>>)
          tpu.yield
        }) : () -> ()
        "tpu.region"() ({
          %run_scoped3A = tpu.sem_alloc : memref<!tpu.dma_semaphore, #tpu.memory_space<semaphore_mem>>
          %dma_start3A_647 = arith.constant 999936 : i32
          %dma_start3A_648 = tpu.memref_slice %arg16[%dma_start3A_647] : memref<1000000xf32, #tpu.memory_space<vmem_shared>> -> memref<64xf32, #tpu.memory_space<vmem_shared>>
          %dma_start3A_649 = arith.constant 999936 : i32
          %dma_start3A_650 = tpu.memref_slice %arg16[%dma_start3A_649] : memref<1000000xf32, #tpu.memory_space<vmem_shared>> -> memref<64xf32, #tpu.memory_space<vmem_shared>>
          tpu.enqueue_dma source(%arg14 : memref<64xf32, #tpu.memory_space<vmem>>) target(%dma_start3A_650 : memref<64xf32, #tpu.memory_space<vmem_shared>>) target_semaphore(%run_scoped3A : memref<!tpu.dma_semaphore, #tpu.memory_space<semaphore_mem>>)
          %dma_wait3A_651 = arith.constant 999936 : i32
          %dma_wait3A_652 = tpu.memref_slice %arg16[%dma_wait3A_651] : memref<1000000xf32, #tpu.memory_space<vmem_shared>> -> memref<64xf32, #tpu.memory_space<vmem_shared>>
          %dma_wait3A_653 = arith.constant 999936 : i32
          %dma_wait3A_654 = tpu.memref_slice %arg16[%dma_wait3A_653] : memref<1000000xf32, #tpu.memory_space<vmem_shared>> -> memref<64xf32, #tpu.memory_space<vmem_shared>>
          tpu.wait_dma2 semaphore(%run_scoped3A : memref<!tpu.dma_semaphore, #tpu.memory_space<semaphore_mem>>) src(%arg14 : memref<64xf32, #tpu.memory_space<vmem>>) dst(%dma_wait3A_654 : memref<64xf32, #tpu.memory_space<vmem_shared>>)
          tpu.yield
        }) : () -> ()
      } else {
      }
      %lt3A_157 = arith.constant 15 : i32
      %lt3A_158 = arith.cmpi slt, %arg1, %lt3A_157 : i32
      %convert_element_type3A_159 = arith.extui %lt3A_158 : i1 to i32
      %cond3A_160 = arith.constant 0 : i32
      %cond3A_161 = arith.cmpi ne, %convert_element_type3A_159, %cond3A_160 : i32
      scf.if %cond3A_161 {
        %mul3A_638 = arith.constant 65536 : i32
        %mul3A_639 = arith.muli %arg1, %mul3A_638 : i32
        %mul3A_640 = arith.constant 65536 : i32
        %mul3A_641 = arith.muli %arg1, %mul3A_640 : i32
        %dma_wait3A_642 = tpu.memref_slice %arg15[%mul3A_641] : memref<1000000xf32, #tpu.memory_space<vmem_shared>> -> memref<65536xf32, #tpu.memory_space<vmem_shared>>
        %dma_wait3A_643 = arith.constant 0 : i32
        %dma_wait3A_644 = tpu.memref_slice %arg4[%add3A, %dma_wait3A_643] : memref<64x1000000xf32, #tpu.memory_space<hbm>> -> memref<1x1000000xf32, #tpu.memory_space<hbm>>
        %dma_wait3A_645 = tpu.memref_squeeze %dma_wait3A_644 : memref<1x1000000xf32, #tpu.memory_space<hbm>> -> memref<1000000xf32, #tpu.memory_space<hbm>>
        %dma_wait3A_646 = tpu.memref_slice %dma_wait3A_645[%mul3A_639] : memref<1000000xf32, #tpu.memory_space<hbm>> -> memref<65536xf32, #tpu.memory_space<hbm>>
        tpu.wait_dma2 semaphore(%arg17 : memref<!tpu.dma_semaphore, #tpu.memory_space<semaphore_mem>>) src(%dma_wait3A_646 : memref<65536xf32, #tpu.memory_space<hbm>>) dst(%dma_wait3A_642 : memref<65536xf32, #tpu.memory_space<vmem_shared>>)
      } else {
      }
      %eq3A_162 = arith.constant 15 : i32
      %eq3A_163 = arith.cmpi eq, %arg1, %eq3A_162 : i32
      %convert_element_type3A_164 = arith.extui %eq3A_163 : i1 to i32
      %cond3A_165 = arith.constant 0 : i32
      %cond3A_166 = arith.cmpi ne, %convert_element_type3A_164, %cond3A_165 : i32
      scf.if %cond3A_166 {
        %dma_wait3A_638 = arith.constant 983040 : i32
        %dma_wait3A_639 = tpu.memref_slice %arg15[%dma_wait3A_638] : memref<1000000xf32, #tpu.memory_space<vmem_shared>> -> memref<16896xf32, #tpu.memory_space<vmem_shared>>
        %dma_wait3A_640 = arith.constant 0 : i32
        %dma_wait3A_641 = tpu.memref_slice %arg4[%add3A, %dma_wait3A_640] : memref<64x1000000xf32, #tpu.memory_space<hbm>> -> memref<1x1000000xf32, #tpu.memory_space<hbm>>
        %dma_wait3A_642 = tpu.memref_squeeze %dma_wait3A_641 : memref<1x1000000xf32, #tpu.memory_space<hbm>> -> memref<1000000xf32, #tpu.memory_space<hbm>>
        %dma_wait3A_643 = arith.constant 983040 : i32
        %dma_wait3A_644 = tpu.memref_slice %dma_wait3A_642[%dma_wait3A_643] : memref<1000000xf32, #tpu.memory_space<hbm>> -> memref<16896xf32, #tpu.memory_space<hbm>>
        tpu.wait_dma2 semaphore(%arg17 : memref<!tpu.dma_semaphore, #tpu.memory_space<semaphore_mem>>) src(%dma_wait3A_644 : memref<16896xf32, #tpu.memory_space<hbm>>) dst(%dma_wait3A_639 : memref<16896xf32, #tpu.memory_space<vmem_shared>>)
      } else {
      }
      %barrier3A = arith.constant 0 : index
      tpu.barrier barrier_id(%barrier3A)
      %dma_start3A = arith.constant 0 : i32
      %dma_start3A_167 = tpu.memref_slice %arg15[%dma_start3A] : memref<1000000xf32, #tpu.memory_space<vmem_shared>> -> memref<1000000xf32, #tpu.memory_space<vmem_shared>>
      tpu.enqueue_indirect_dma source(%dma_start3A_167 : memref<1000000xf32, #tpu.memory_space<vmem_shared>>) target(%arg11 : memref<1024xf32, #tpu.memory_space<vmem>>) offsets(%arg9 : memref<1024xi32, #tpu.memory_space<vmem>>) semaphore(%arg19 : memref<!tpu.dma_semaphore, #tpu.memory_space<semaphore_mem>>)
      %dma_wait3A = arith.constant 0 : i32
      %dma_wait3A_168 = tpu.memref_slice %arg15[%dma_wait3A] : memref<1000000xf32, #tpu.memory_space<vmem_shared>> -> memref<1000000xf32, #tpu.memory_space<vmem_shared>>
      tpu.wait_indirect_dma semaphore(%arg19 : memref<!tpu.dma_semaphore, #tpu.memory_space<semaphore_mem>>) src(%dma_wait3A_168 : memref<1000000xf32, #tpu.memory_space<vmem_shared>>) dst(%arg11 : memref<1024xf32, #tpu.memory_space<vmem>>)
      %lt3A_169 = arith.constant 15 : i32
      %lt3A_170 = arith.cmpi slt, %arg1, %lt3A_169 : i32
      %convert_element_type3A_171 = arith.extui %lt3A_170 : i1 to i32
      %cond3A_172 = arith.constant 0 : i32
      %cond3A_173 = arith.cmpi ne, %convert_element_type3A_171, %cond3A_172 : i32
      scf.if %cond3A_173 {
        %mul3A_638 = arith.constant 65536 : i32
        %mul3A_639 = arith.muli %arg1, %mul3A_638 : i32
        %mul3A_640 = arith.constant 65536 : i32
        %mul3A_641 = arith.muli %arg1, %mul3A_640 : i32
        %dma_wait3A_642 = tpu.memref_slice %arg16[%mul3A_641] : memref<1000000xf32, #tpu.memory_space<vmem_shared>> -> memref<65536xf32, #tpu.memory_space<vmem_shared>>
        %dma_wait3A_643 = arith.constant 0 : i32
        %dma_wait3A_644 = tpu.memref_slice %arg5[%add3A, %dma_wait3A_643] : memref<64x1000000xf32, #tpu.memory_space<hbm>> -> memref<1x1000000xf32, #tpu.memory_space<hbm>>
        %dma_wait3A_645 = tpu.memref_squeeze %dma_wait3A_644 : memref<1x1000000xf32, #tpu.memory_space<hbm>> -> memref<1000000xf32, #tpu.memory_space<hbm>>
        %dma_wait3A_646 = tpu.memref_slice %dma_wait3A_645[%mul3A_639] : memref<1000000xf32, #tpu.memory_space<hbm>> -> memref<65536xf32, #tpu.memory_space<hbm>>
        tpu.wait_dma2 semaphore(%arg18 : memref<!tpu.dma_semaphore, #tpu.memory_space<semaphore_mem>>) src(%dma_wait3A_646 : memref<65536xf32, #tpu.memory_space<hbm>>) dst(%dma_wait3A_642 : memref<65536xf32, #tpu.memory_space<vmem_shared>>)
      } else {
      }
      %eq3A_174 = arith.constant 15 : i32
      %eq3A_175 = arith.cmpi eq, %arg1, %eq3A_174 : i32
      %convert_element_type3A_176 = arith.extui %eq3A_175 : i1 to i32
      %cond3A_177 = arith.constant 0 : i32
      %cond3A_178 = arith.cmpi ne, %convert_element_type3A_176, %cond3A_177 : i32
      scf.if %cond3A_178 {
        %dma_wait3A_638 = arith.constant 983040 : i32
        %dma_wait3A_639 = tpu.memref_slice %arg16[%dma_wait3A_638] : memref<1000000xf32, #tpu.memory_space<vmem_shared>> -> memref<16896xf32, #tpu.memory_space<vmem_shared>>
        %dma_wait3A_640 = arith.constant 0 : i32
        %dma_wait3A_641 = tpu.memref_slice %arg5[%add3A, %dma_wait3A_640] : memref<64x1000000xf32, #tpu.memory_space<hbm>> -> memref<1x1000000xf32, #tpu.memory_space<hbm>>
        %dma_wait3A_642 = tpu.memref_squeeze %dma_wait3A_641 : memref<1x1000000xf32, #tpu.memory_space<hbm>> -> memref<1000000xf32, #tpu.memory_space<hbm>>
        %dma_wait3A_643 = arith.constant 983040 : i32
        %dma_wait3A_644 = tpu.memref_slice %dma_wait3A_642[%dma_wait3A_643] : memref<1000000xf32, #tpu.memory_space<hbm>> -> memref<16896xf32, #tpu.memory_space<hbm>>
        tpu.wait_dma2 semaphore(%arg18 : memref<!tpu.dma_semaphore, #tpu.memory_space<semaphore_mem>>) src(%dma_wait3A_644 : memref<16896xf32, #tpu.memory_space<hbm>>) dst(%dma_wait3A_639 : memref<16896xf32, #tpu.memory_space<vmem_shared>>)
      } else {
      }
      %barrier3A_179 = arith.constant 0 : index
      tpu.barrier barrier_id(%barrier3A_179)
      %lt3A_180 = arith.constant 31 : i32
      %lt3A_181 = arith.cmpi slt, %scan3A_143, %lt3A_180 : i32
      %convert_element_type3A_182 = arith.extui %lt3A_181 : i1 to i32
      %cond3A_183 = arith.constant 0 : i32
      %cond3A_184 = arith.cmpi ne, %convert_element_type3A_182, %cond3A_183 : i32
      scf.if %cond3A_184 {
        %add3A_638 = arith.constant 1 : i32
        %add3A_639 = arith.addi %add3A, %add3A_638 : i32
        %lt3A_640 = arith.constant 15 : i32
        %lt3A_641 = arith.cmpi slt, %arg1, %lt3A_640 : i32
        %convert_element_type3A_642 = arith.extui %lt3A_641 : i1 to i32
        %cond3A_643 = arith.constant 0 : i32
        %cond3A_644 = arith.cmpi ne, %convert_element_type3A_642, %cond3A_643 : i32
        scf.if %cond3A_644 {
          %mul3A_650 = arith.constant 65536 : i32
          %mul3A_651 = arith.muli %arg1, %mul3A_650 : i32
          %mul3A_652 = arith.constant 65536 : i32
          %mul3A_653 = arith.muli %arg1, %mul3A_652 : i32
          %dma_start3A_654 = tpu.memref_slice %arg15[%mul3A_653] : memref<1000000xf32, #tpu.memory_space<vmem_shared>> -> memref<65536xf32, #tpu.memory_space<vmem_shared>>
          %dma_start3A_655 = arith.constant 0 : i32
          %dma_start3A_656 = tpu.memref_slice %arg4[%add3A_639, %dma_start3A_655] : memref<64x1000000xf32, #tpu.memory_space<hbm>> -> memref<1x1000000xf32, #tpu.memory_space<hbm>>
          %dma_start3A_657 = tpu.memref_squeeze %dma_start3A_656 : memref<1x1000000xf32, #tpu.memory_space<hbm>> -> memref<1000000xf32, #tpu.memory_space<hbm>>
          %dma_start3A_658 = tpu.memref_slice %dma_start3A_657[%mul3A_651] : memref<1000000xf32, #tpu.memory_space<hbm>> -> memref<65536xf32, #tpu.memory_space<hbm>>
          tpu.enqueue_dma source(%dma_start3A_658 : memref<65536xf32, #tpu.memory_space<hbm>>) target(%dma_start3A_654 : memref<65536xf32, #tpu.memory_space<vmem_shared>>) target_semaphore(%arg17 : memref<!tpu.dma_semaphore, #tpu.memory_space<semaphore_mem>>)
        } else {
        }
        %eq3A_645 = arith.constant 15 : i32
        %eq3A_646 = arith.cmpi eq, %arg1, %eq3A_645 : i32
        %convert_element_type3A_647 = arith.extui %eq3A_646 : i1 to i32
        %cond3A_648 = arith.constant 0 : i32
        %cond3A_649 = arith.cmpi ne, %convert_element_type3A_647, %cond3A_648 : i32
        scf.if %cond3A_649 {
          %dma_start3A_650 = arith.constant 983040 : i32
          %dma_start3A_651 = tpu.memref_slice %arg15[%dma_start3A_650] : memref<1000000xf32, #tpu.memory_space<vmem_shared>> -> memref<16896xf32, #tpu.memory_space<vmem_shared>>
          %dma_start3A_652 = arith.constant 0 : i32
          %dma_start3A_653 = tpu.memref_slice %arg4[%add3A_639, %dma_start3A_652] : memref<64x1000000xf32, #tpu.memory_space<hbm>> -> memref<1x1000000xf32, #tpu.memory_space<hbm>>
          %dma_start3A_654 = tpu.memref_squeeze %dma_start3A_653 : memref<1x1000000xf32, #tpu.memory_space<hbm>> -> memref<1000000xf32, #tpu.memory_space<hbm>>
          %dma_start3A_655 = arith.constant 983040 : i32
          %dma_start3A_656 = tpu.memref_slice %dma_start3A_654[%dma_start3A_655] : memref<1000000xf32, #tpu.memory_space<hbm>> -> memref<16896xf32, #tpu.memory_space<hbm>>
          tpu.enqueue_dma source(%dma_start3A_656 : memref<16896xf32, #tpu.memory_space<hbm>>) target(%dma_start3A_651 : memref<16896xf32, #tpu.memory_space<vmem_shared>>) target_semaphore(%arg17 : memref<!tpu.dma_semaphore, #tpu.memory_space<semaphore_mem>>)
          %mul3A_657 = arith.constant 64 : i32
          %mul3A_658 = arith.muli %add3A_639, %mul3A_657 : i32
          "tpu.region"() ({
            %run_scoped3A = tpu.sem_alloc : memref<!tpu.dma_semaphore, #tpu.memory_space<semaphore_mem>>
            %dma_start3A_659 = tpu.memref_slice %arg6[%mul3A_658] : memref<4096xf32, #tpu.memory_space<hbm>> -> memref<64xf32, #tpu.memory_space<hbm>>
            %dma_start3A_660 = tpu.memref_slice %arg6[%mul3A_658] : memref<4096xf32, #tpu.memory_space<hbm>> -> memref<64xf32, #tpu.memory_space<hbm>>
            tpu.enqueue_dma source(%dma_start3A_660 : memref<64xf32, #tpu.memory_space<hbm>>) target(%arg14 : memref<64xf32, #tpu.memory_space<vmem>>) target_semaphore(%run_scoped3A : memref<!tpu.dma_semaphore, #tpu.memory_space<semaphore_mem>>)
            %dma_wait3A_661 = tpu.memref_slice %arg6[%mul3A_658] : memref<4096xf32, #tpu.memory_space<hbm>> -> memref<64xf32, #tpu.memory_space<hbm>>
            %dma_wait3A_662 = tpu.memref_slice %arg6[%mul3A_658] : memref<4096xf32, #tpu.memory_space<hbm>> -> memref<64xf32, #tpu.memory_space<hbm>>
            tpu.wait_dma2 semaphore(%run_scoped3A : memref<!tpu.dma_semaphore, #tpu.memory_space<semaphore_mem>>) src(%dma_wait3A_662 : memref<64xf32, #tpu.memory_space<hbm>>) dst(%arg14 : memref<64xf32, #tpu.memory_space<vmem>>)
            tpu.yield
          }) : () -> ()
          "tpu.region"() ({
            %run_scoped3A = tpu.sem_alloc : memref<!tpu.dma_semaphore, #tpu.memory_space<semaphore_mem>>
            %dma_start3A_659 = arith.constant 999936 : i32
            %dma_start3A_660 = tpu.memref_slice %arg15[%dma_start3A_659] : memref<1000000xf32, #tpu.memory_space<vmem_shared>> -> memref<64xf32, #tpu.memory_space<vmem_shared>>
            %dma_start3A_661 = arith.constant 999936 : i32
            %dma_start3A_662 = tpu.memref_slice %arg15[%dma_start3A_661] : memref<1000000xf32, #tpu.memory_space<vmem_shared>> -> memref<64xf32, #tpu.memory_space<vmem_shared>>
            tpu.enqueue_dma source(%arg14 : memref<64xf32, #tpu.memory_space<vmem>>) target(%dma_start3A_662 : memref<64xf32, #tpu.memory_space<vmem_shared>>) target_semaphore(%run_scoped3A : memref<!tpu.dma_semaphore, #tpu.memory_space<semaphore_mem>>)
            %dma_wait3A_663 = arith.constant 999936 : i32
            %dma_wait3A_664 = tpu.memref_slice %arg15[%dma_wait3A_663] : memref<1000000xf32, #tpu.memory_space<vmem_shared>> -> memref<64xf32, #tpu.memory_space<vmem_shared>>
            %dma_wait3A_665 = arith.constant 999936 : i32
            %dma_wait3A_666 = tpu.memref_slice %arg15[%dma_wait3A_665] : memref<1000000xf32, #tpu.memory_space<vmem_shared>> -> memref<64xf32, #tpu.memory_space<vmem_shared>>
            tpu.wait_dma2 semaphore(%run_scoped3A : memref<!tpu.dma_semaphore, #tpu.memory_space<semaphore_mem>>) src(%arg14 : memref<64xf32, #tpu.memory_space<vmem>>) dst(%dma_wait3A_666 : memref<64xf32, #tpu.memory_space<vmem_shared>>)
            tpu.yield
          }) : () -> ()
        } else {
        }
      } else {
      }
      %dma_start3A_185 = arith.constant 0 : i32
      %dma_start3A_186 = tpu.memref_slice %arg16[%dma_start3A_185] : memref<1000000xf32, #tpu.memory_space<vmem_shared>> -> memref<1000000xf32, #tpu.memory_space<vmem_shared>>
      tpu.enqueue_indirect_dma source(%dma_start3A_186 : memref<1000000xf32, #tpu.memory_space<vmem_shared>>) target(%arg12 : memref<1024xf32, #tpu.memory_space<vmem>>) offsets(%arg10 : memref<1024xi32, #tpu.memory_space<vmem>>) semaphore(%arg19 : memref<!tpu.dma_semaphore, #tpu.memory_space<semaphore_mem>>)
      %dma_wait3A_187 = arith.constant 0 : i32
      %dma_wait3A_188 = tpu.memref_slice %arg16[%dma_wait3A_187] : memref<1000000xf32, #tpu.memory_space<vmem_shared>> -> memref<1000000xf32, #tpu.memory_space<vmem_shared>>
      tpu.wait_indirect_dma semaphore(%arg19 : memref<!tpu.dma_semaphore, #tpu.memory_space<semaphore_mem>>) src(%dma_wait3A_188 : memref<1000000xf32, #tpu.memory_space<vmem_shared>>) dst(%arg12 : memref<1024xf32, #tpu.memory_space<vmem>>)
      %barrier3A_189 = arith.constant 0 : index
      tpu.barrier barrier_id(%barrier3A_189)
      %get3A = arith.constant 0 : index
      %get3A_190 = tpu.vector_load %arg11[%get3A] {strides = array<i32>} : memref<1024xf32, #tpu.memory_space<vmem>>, vector<16xf32>,
      %get3A_191 = arith.constant 0 : index
      %get3A_192 = tpu.vector_load %arg12[%get3A_191] {strides = array<i32>} : memref<1024xf32, #tpu.memory_space<vmem>>, vector<16xf32>,
      %mul3A_193 = arith.mulf %get3A_190, %get3A_192 : vector<16xf32>
      %swap3A_194 = arith.constant 0 : index
      %swap3A_195 = tpu.vector_load %arg13[%swap3A_194] {strides = array<i32>} : memref<1024xf32, #tpu.memory_space<vmem>>, vector<16xf32>,
      tpu.vector_store %arg13[%swap3A_194], %mul3A_193 {add = true, strides = array<i32>} : memref<1024xf32, #tpu.memory_space<vmem>>, vector<16xf32>,
      %get3A_196 = arith.constant 16 : index
      %get3A_197 = tpu.vector_load %arg11[%get3A_196] {strides = array<i32>} : memref<1024xf32, #tpu.memory_space<vmem>>, vector<16xf32>,
      %get3A_198 = arith.constant 16 : index
      %get3A_199 = tpu.vector_load %arg12[%get3A_198] {strides = array<i32>} : memref<1024xf32, #tpu.memory_space<vmem>>, vector<16xf32>,
      %mul3A_200 = arith.mulf %get3A_197, %get3A_199 : vector<16xf32>
      %swap3A_201 = arith.constant 16 : index
      %swap3A_202 = tpu.vector_load %arg13[%swap3A_201] {strides = array<i32>} : memref<1024xf32, #tpu.memory_space<vmem>>, vector<16xf32>,
      tpu.vector_store %arg13[%swap3A_201], %mul3A_200 {add = true, strides = array<i32>} : memref<1024xf32, #tpu.memory_space<vmem>>, vector<16xf32>,
      %get3A_203 = arith.constant 32 : index
      %get3A_204 = tpu.vector_load %arg11[%get3A_203] {strides = array<i32>} : memref<1024xf32, #tpu.memory_space<vmem>>, vector<16xf32>,
      %get3A_205 = arith.constant 32 : index
      %get3A_206 = tpu.vector_load %arg12[%get3A_205] {strides = array<i32>} : memref<1024xf32, #tpu.memory_space<vmem>>, vector<16xf32>,
      %mul3A_207 = arith.mulf %get3A_204, %get3A_206 : vector<16xf32>
      %swap3A_208 = arith.constant 32 : index
      %swap3A_209 = tpu.vector_load %arg13[%swap3A_208] {strides = array<i32>} : memref<1024xf32, #tpu.memory_space<vmem>>, vector<16xf32>,
      tpu.vector_store %arg13[%swap3A_208], %mul3A_207 {add = true, strides = array<i32>} : memref<1024xf32, #tpu.memory_space<vmem>>, vector<16xf32>,
      %get3A_210 = arith.constant 48 : index
      %get3A_211 = tpu.vector_load %arg11[%get3A_210] {strides = array<i32>} : memref<1024xf32, #tpu.memory_space<vmem>>, vector<16xf32>,
      %get3A_212 = arith.constant 48 : index
      %get3A_213 = tpu.vector_load %arg12[%get3A_212] {strides = array<i32>} : memref<1024xf32, #tpu.memory_space<vmem>>, vector<16xf32>,
      %mul3A_214 = arith.mulf %get3A_211, %get3A_213 : vector<16xf32>
      %swap3A_215 = arith.constant 48 : index
      %swap3A_216 = tpu.vector_load %arg13[%swap3A_215] {strides = array<i32>} : memref<1024xf32, #tpu.memory_space<vmem>>, vector<16xf32>,
      tpu.vector_store %arg13[%swap3A_215], %mul3A_214 {add = true, strides = array<i32>} : memref<1024xf32, #tpu.memory_space<vmem>>, vector<16xf32>,
      %get3A_217 = arith.constant 64 : index
      %get3A_218 = tpu.vector_load %arg11[%get3A_217] {strides = array<i32>} : memref<1024xf32, #tpu.memory_space<vmem>>, vector<16xf32>,
      %get3A_219 = arith.constant 64 : index
      %get3A_220 = tpu.vector_load %arg12[%get3A_219] {strides = array<i32>} : memref<1024xf32, #tpu.memory_space<vmem>>, vector<16xf32>,
      %mul3A_221 = arith.mulf %get3A_218, %get3A_220 : vector<16xf32>
      %swap3A_222 = arith.constant 64 : index
      %swap3A_223 = tpu.vector_load %arg13[%swap3A_222] {strides = array<i32>} : memref<1024xf32, #tpu.memory_space<vmem>>, vector<16xf32>,
      tpu.vector_store %arg13[%swap3A_222], %mul3A_221 {add = true, strides = array<i32>} : memref<1024xf32, #tpu.memory_space<vmem>>, vector<16xf32>,
      %get3A_224 = arith.constant 80 : index
      %get3A_225 = tpu.vector_load %arg11[%get3A_224] {strides = array<i32>} : memref<1024xf32, #tpu.memory_space<vmem>>, vector<16xf32>,
      %get3A_226 = arith.constant 80 : index
      %get3A_227 = tpu.vector_load %arg12[%get3A_226] {strides = array<i32>} : memref<1024xf32, #tpu.memory_space<vmem>>, vector<16xf32>,
      %mul3A_228 = arith.mulf %get3A_225, %get3A_227 : vector<16xf32>
      %swap3A_229 = arith.constant 80 : index
      %swap3A_230 = tpu.vector_load %arg13[%swap3A_229] {strides = array<i32>} : memref<1024xf32, #tpu.memory_space<vmem>>, vector<16xf32>,
      tpu.vector_store %arg13[%swap3A_229], %mul3A_228 {add = true, strides = array<i32>} : memref<1024xf32, #tpu.memory_space<vmem>>, vector<16xf32>,
      %get3A_231 = arith.constant 96 : index
      %get3A_232 = tpu.vector_load %arg11[%get3A_231] {strides = array<i32>} : memref<1024xf32, #tpu.memory_space<vmem>>, vector<16xf32>,
      %get3A_233 = arith.constant 96 : index
      %get3A_234 = tpu.vector_load %arg12[%get3A_233] {strides = array<i32>} : memref<1024xf32, #tpu.memory_space<vmem>>, vector<16xf32>,
      %mul3A_235 = arith.mulf %get3A_232, %get3A_234 : vector<16xf32>
      %swap3A_236 = arith.constant 96 : index
      %swap3A_237 = tpu.vector_load %arg13[%swap3A_236] {strides = array<i32>} : memref<1024xf32, #tpu.memory_space<vmem>>, vector<16xf32>,
      tpu.vector_store %arg13[%swap3A_236], %mul3A_235 {add = true, strides = array<i32>} : memref<1024xf32, #tpu.memory_space<vmem>>, vector<16xf32>,
      %get3A_238 = arith.constant 112 : index
      %get3A_239 = tpu.vector_load %arg11[%get3A_238] {strides = array<i32>} : memref<1024xf32, #tpu.memory_space<vmem>>, vector<16xf32>,
      %get3A_240 = arith.constant 112 : index
      %get3A_241 = tpu.vector_load %arg12[%get3A_240] {strides = array<i32>} : memref<1024xf32, #tpu.memory_space<vmem>>, vector<16xf32>,
      %mul3A_242 = arith.mulf %get3A_239, %get3A_241 : vector<16xf32>
      %swap3A_243 = arith.constant 112 : index
      %swap3A_244 = tpu.vector_load %arg13[%swap3A_243] {strides = array<i32>} : memref<1024xf32, #tpu.memory_space<vmem>>, vector<16xf32>,
      tpu.vector_store %arg13[%swap3A_243], %mul3A_242 {add = true, strides = array<i32>} : memref<1024xf32, #tpu.memory_space<vmem>>, vector<16xf32>,
      %get3A_245 = arith.constant 128 : index
      %get3A_246 = tpu.vector_load %arg11[%get3A_245] {strides = array<i32>} : memref<1024xf32, #tpu.memory_space<vmem>>, vector<16xf32>,
      %get3A_247 = arith.constant 128 : index
      %get3A_248 = tpu.vector_load %arg12[%get3A_247] {strides = array<i32>} : memref<1024xf32, #tpu.memory_space<vmem>>, vector<16xf32>,
      %mul3A_249 = arith.mulf %get3A_246, %get3A_248 : vector<16xf32>
      %swap3A_250 = arith.constant 128 : index
      %swap3A_251 = tpu.vector_load %arg13[%swap3A_250] {strides = array<i32>} : memref<1024xf32, #tpu.memory_space<vmem>>, vector<16xf32>,
      tpu.vector_store %arg13[%swap3A_250], %mul3A_249 {add = true, strides = array<i32>} : memref<1024xf32, #tpu.memory_space<vmem>>, vector<16xf32>,
      %get3A_252 = arith.constant 144 : index
      %get3A_253 = tpu.vector_load %arg11[%get3A_252] {strides = array<i32>} : memref<1024xf32, #tpu.memory_space<vmem>>, vector<16xf32>,
      %get3A_254 = arith.constant 144 : index
      %get3A_255 = tpu.vector_load %arg12[%get3A_254] {strides = array<i32>} : memref<1024xf32, #tpu.memory_space<vmem>>, vector<16xf32>,
      %mul3A_256 = arith.mulf %get3A_253, %get3A_255 : vector<16xf32>
      %swap3A_257 = arith.constant 144 : index
      %swap3A_258 = tpu.vector_load %arg13[%swap3A_257] {strides = array<i32>} : memref<1024xf32, #tpu.memory_space<vmem>>, vector<16xf32>,
      tpu.vector_store %arg13[%swap3A_257], %mul3A_256 {add = true, strides = array<i32>} : memref<1024xf32, #tpu.memory_space<vmem>>, vector<16xf32>,
      %get3A_259 = arith.constant 160 : index
      %get3A_260 = tpu.vector_load %arg11[%get3A_259] {strides = array<i32>} : memref<1024xf32, #tpu.memory_space<vmem>>, vector<16xf32>,
      %get3A_261 = arith.constant 160 : index
      %get3A_262 = tpu.vector_load %arg12[%get3A_261] {strides = array<i32>} : memref<1024xf32, #tpu.memory_space<vmem>>, vector<16xf32>,
      %mul3A_263 = arith.mulf %get3A_260, %get3A_262 : vector<16xf32>
      %swap3A_264 = arith.constant 160 : index
      %swap3A_265 = tpu.vector_load %arg13[%swap3A_264] {strides = array<i32>} : memref<1024xf32, #tpu.memory_space<vmem>>, vector<16xf32>,
      tpu.vector_store %arg13[%swap3A_264], %mul3A_263 {add = true, strides = array<i32>} : memref<1024xf32, #tpu.memory_space<vmem>>, vector<16xf32>,
      %get3A_266 = arith.constant 176 : index
      %get3A_267 = tpu.vector_load %arg11[%get3A_266] {strides = array<i32>} : memref<1024xf32, #tpu.memory_space<vmem>>, vector<16xf32>,
      %get3A_268 = arith.constant 176 : index
      %get3A_269 = tpu.vector_load %arg12[%get3A_268] {strides = array<i32>} : memref<1024xf32, #tpu.memory_space<vmem>>, vector<16xf32>,
      %mul3A_270 = arith.mulf %get3A_267, %get3A_269 : vector<16xf32>
      %swap3A_271 = arith.constant 176 : index
      %swap3A_272 = tpu.vector_load %arg13[%swap3A_271] {strides = array<i32>} : memref<1024xf32, #tpu.memory_space<vmem>>, vector<16xf32>,
      tpu.vector_store %arg13[%swap3A_271], %mul3A_270 {add = true, strides = array<i32>} : memref<1024xf32, #tpu.memory_space<vmem>>, vector<16xf32>,
      %get3A_273 = arith.constant 192 : index
      %get3A_274 = tpu.vector_load %arg11[%get3A_273] {strides = array<i32>} : memref<1024xf32, #tpu.memory_space<vmem>>, vector<16xf32>,
      %get3A_275 = arith.constant 192 : index
      %get3A_276 = tpu.vector_load %arg12[%get3A_275] {strides = array<i32>} : memref<1024xf32, #tpu.memory_space<vmem>>, vector<16xf32>,
      %mul3A_277 = arith.mulf %get3A_274, %get3A_276 : vector<16xf32>
      %swap3A_278 = arith.constant 192 : index
      %swap3A_279 = tpu.vector_load %arg13[%swap3A_278] {strides = array<i32>} : memref<1024xf32, #tpu.memory_space<vmem>>, vector<16xf32>,
      tpu.vector_store %arg13[%swap3A_278], %mul3A_277 {add = true, strides = array<i32>} : memref<1024xf32, #tpu.memory_space<vmem>>, vector<16xf32>,
      %get3A_280 = arith.constant 208 : index
      %get3A_281 = tpu.vector_load %arg11[%get3A_280] {strides = array<i32>} : memref<1024xf32, #tpu.memory_space<vmem>>, vector<16xf32>,
      %get3A_282 = arith.constant 208 : index
      %get3A_283 = tpu.vector_load %arg12[%get3A_282] {strides = array<i32>} : memref<1024xf32, #tpu.memory_space<vmem>>, vector<16xf32>,
      %mul3A_284 = arith.mulf %get3A_281, %get3A_283 : vector<16xf32>
      %swap3A_285 = arith.constant 208 : index
      %swap3A_286 = tpu.vector_load %arg13[%swap3A_285] {strides = array<i32>} : memref<1024xf32, #tpu.memory_space<vmem>>, vector<16xf32>,
      tpu.vector_store %arg13[%swap3A_285], %mul3A_284 {add = true, strides = array<i32>} : memref<1024xf32, #tpu.memory_space<vmem>>, vector<16xf32>,
      %get3A_287 = arith.constant 224 : index
      %get3A_288 = tpu.vector_load %arg11[%get3A_287] {strides = array<i32>} : memref<1024xf32, #tpu.memory_space<vmem>>, vector<16xf32>,
      %get3A_289 = arith.constant 224 : index
      %get3A_290 = tpu.vector_load %arg12[%get3A_289] {strides = array<i32>} : memref<1024xf32, #tpu.memory_space<vmem>>, vector<16xf32>,
      %mul3A_291 = arith.mulf %get3A_288, %get3A_290 : vector<16xf32>
      %swap3A_292 = arith.constant 224 : index
      %swap3A_293 = tpu.vector_load %arg13[%swap3A_292] {strides = array<i32>} : memref<1024xf32, #tpu.memory_space<vmem>>, vector<16xf32>,
      tpu.vector_store %arg13[%swap3A_292], %mul3A_291 {add = true, strides = array<i32>} : memref<1024xf32, #tpu.memory_space<vmem>>, vector<16xf32>,
      %get3A_294 = arith.constant 240 : index
      %get3A_295 = tpu.vector_load %arg11[%get3A_294] {strides = array<i32>} : memref<1024xf32, #tpu.memory_space<vmem>>, vector<16xf32>,
      %get3A_296 = arith.constant 240 : index
      %get3A_297 = tpu.vector_load %arg12[%get3A_296] {strides = array<i32>} : memref<1024xf32, #tpu.memory_space<vmem>>, vector<16xf32>,
      %mul3A_298 = arith.mulf %get3A_295, %get3A_297 : vector<16xf32>
      %swap3A_299 = arith.constant 240 : index
      %swap3A_300 = tpu.vector_load %arg13[%swap3A_299] {strides = array<i32>} : memref<1024xf32, #tpu.memory_space<vmem>>, vector<16xf32>,
      tpu.vector_store %arg13[%swap3A_299], %mul3A_298 {add = true, strides = array<i32>} : memref<1024xf32, #tpu.memory_space<vmem>>, vector<16xf32>,
      %get3A_301 = arith.constant 256 : index
      %get3A_302 = tpu.vector_load %arg11[%get3A_301] {strides = array<i32>} : memref<1024xf32, #tpu.memory_space<vmem>>, vector<16xf32>,
      %get3A_303 = arith.constant 256 : index
      %get3A_304 = tpu.vector_load %arg12[%get3A_303] {strides = array<i32>} : memref<1024xf32, #tpu.memory_space<vmem>>, vector<16xf32>,
      %mul3A_305 = arith.mulf %get3A_302, %get3A_304 : vector<16xf32>
      %swap3A_306 = arith.constant 256 : index
      %swap3A_307 = tpu.vector_load %arg13[%swap3A_306] {strides = array<i32>} : memref<1024xf32, #tpu.memory_space<vmem>>, vector<16xf32>,
      tpu.vector_store %arg13[%swap3A_306], %mul3A_305 {add = true, strides = array<i32>} : memref<1024xf32, #tpu.memory_space<vmem>>, vector<16xf32>,
      %get3A_308 = arith.constant 272 : index
      %get3A_309 = tpu.vector_load %arg11[%get3A_308] {strides = array<i32>} : memref<1024xf32, #tpu.memory_space<vmem>>, vector<16xf32>,
      %get3A_310 = arith.constant 272 : index
      %get3A_311 = tpu.vector_load %arg12[%get3A_310] {strides = array<i32>} : memref<1024xf32, #tpu.memory_space<vmem>>, vector<16xf32>,
      %mul3A_312 = arith.mulf %get3A_309, %get3A_311 : vector<16xf32>
      %swap3A_313 = arith.constant 272 : index
      %swap3A_314 = tpu.vector_load %arg13[%swap3A_313] {strides = array<i32>} : memref<1024xf32, #tpu.memory_space<vmem>>, vector<16xf32>,
      tpu.vector_store %arg13[%swap3A_313], %mul3A_312 {add = true, strides = array<i32>} : memref<1024xf32, #tpu.memory_space<vmem>>, vector<16xf32>,
      %get3A_315 = arith.constant 288 : index
      %get3A_316 = tpu.vector_load %arg11[%get3A_315] {strides = array<i32>} : memref<1024xf32, #tpu.memory_space<vmem>>, vector<16xf32>,
      %get3A_317 = arith.constant 288 : index
      %get3A_318 = tpu.vector_load %arg12[%get3A_317] {strides = array<i32>} : memref<1024xf32, #tpu.memory_space<vmem>>, vector<16xf32>,
      %mul3A_319 = arith.mulf %get3A_316, %get3A_318 : vector<16xf32>
      %swap3A_320 = arith.constant 288 : index
      %swap3A_321 = tpu.vector_load %arg13[%swap3A_320] {strides = array<i32>} : memref<1024xf32, #tpu.memory_space<vmem>>, vector<16xf32>,
      tpu.vector_store %arg13[%swap3A_320], %mul3A_319 {add = true, strides = array<i32>} : memref<1024xf32, #tpu.memory_space<vmem>>, vector<16xf32>,
      %get3A_322 = arith.constant 304 : index
      %get3A_323 = tpu.vector_load %arg11[%get3A_322] {strides = array<i32>} : memref<1024xf32, #tpu.memory_space<vmem>>, vector<16xf32>,
      %get3A_324 = arith.constant 304 : index
      %get3A_325 = tpu.vector_load %arg12[%get3A_324] {strides = array<i32>} : memref<1024xf32, #tpu.memory_space<vmem>>, vector<16xf32>,
      %mul3A_326 = arith.mulf %get3A_323, %get3A_325 : vector<16xf32>
      %swap3A_327 = arith.constant 304 : index
      %swap3A_328 = tpu.vector_load %arg13[%swap3A_327] {strides = array<i32>} : memref<1024xf32, #tpu.memory_space<vmem>>, vector<16xf32>,
      tpu.vector_store %arg13[%swap3A_327], %mul3A_326 {add = true, strides = array<i32>} : memref<1024xf32, #tpu.memory_space<vmem>>, vector<16xf32>,
      %get3A_329 = arith.constant 320 : index
      %get3A_330 = tpu.vector_load %arg11[%get3A_329] {strides = array<i32>} : memref<1024xf32, #tpu.memory_space<vmem>>, vector<16xf32>,
      %get3A_331 = arith.constant 320 : index
      %get3A_332 = tpu.vector_load %arg12[%get3A_331] {strides = array<i32>} : memref<1024xf32, #tpu.memory_space<vmem>>, vector<16xf32>,
      %mul3A_333 = arith.mulf %get3A_330, %get3A_332 : vector<16xf32>
      %swap3A_334 = arith.constant 320 : index
      %swap3A_335 = tpu.vector_load %arg13[%swap3A_334] {strides = array<i32>} : memref<1024xf32, #tpu.memory_space<vmem>>, vector<16xf32>,
      tpu.vector_store %arg13[%swap3A_334], %mul3A_333 {add = true, strides = array<i32>} : memref<1024xf32, #tpu.memory_space<vmem>>, vector<16xf32>,
      %get3A_336 = arith.constant 336 : index
      %get3A_337 = tpu.vector_load %arg11[%get3A_336] {strides = array<i32>} : memref<1024xf32, #tpu.memory_space<vmem>>, vector<16xf32>,
      %get3A_338 = arith.constant 336 : index
      %get3A_339 = tpu.vector_load %arg12[%get3A_338] {strides = array<i32>} : memref<1024xf32, #tpu.memory_space<vmem>>, vector<16xf32>,
      %mul3A_340 = arith.mulf %get3A_337, %get3A_339 : vector<16xf32>
      %swap3A_341 = arith.constant 336 : index
      %swap3A_342 = tpu.vector_load %arg13[%swap3A_341] {strides = array<i32>} : memref<1024xf32, #tpu.memory_space<vmem>>, vector<16xf32>,
      tpu.vector_store %arg13[%swap3A_341], %mul3A_340 {add = true, strides = array<i32>} : memref<1024xf32, #tpu.memory_space<vmem>>, vector<16xf32>,
      %get3A_343 = arith.constant 352 : index
      %get3A_344 = tpu.vector_load %arg11[%get3A_343] {strides = array<i32>} : memref<1024xf32, #tpu.memory_space<vmem>>, vector<16xf32>,
      %get3A_345 = arith.constant 352 : index
      %get3A_346 = tpu.vector_load %arg12[%get3A_345] {strides = array<i32>} : memref<1024xf32, #tpu.memory_space<vmem>>, vector<16xf32>,
      %mul3A_347 = arith.mulf %get3A_344, %get3A_346 : vector<16xf32>
      %swap3A_348 = arith.constant 352 : index
      %swap3A_349 = tpu.vector_load %arg13[%swap3A_348] {strides = array<i32>} : memref<1024xf32, #tpu.memory_space<vmem>>, vector<16xf32>,
      tpu.vector_store %arg13[%swap3A_348], %mul3A_347 {add = true, strides = array<i32>} : memref<1024xf32, #tpu.memory_space<vmem>>, vector<16xf32>,
      %get3A_350 = arith.constant 368 : index
      %get3A_351 = tpu.vector_load %arg11[%get3A_350] {strides = array<i32>} : memref<1024xf32, #tpu.memory_space<vmem>>, vector<16xf32>,
      %get3A_352 = arith.constant 368 : index
      %get3A_353 = tpu.vector_load %arg12[%get3A_352] {strides = array<i32>} : memref<1024xf32, #tpu.memory_space<vmem>>, vector<16xf32>,
      %mul3A_354 = arith.mulf %get3A_351, %get3A_353 : vector<16xf32>
      %swap3A_355 = arith.constant 368 : index
      %swap3A_356 = tpu.vector_load %arg13[%swap3A_355] {strides = array<i32>} : memref<1024xf32, #tpu.memory_space<vmem>>, vector<16xf32>,
      tpu.vector_store %arg13[%swap3A_355], %mul3A_354 {add = true, strides = array<i32>} : memref<1024xf32, #tpu.memory_space<vmem>>, vector<16xf32>,
      %get3A_357 = arith.constant 384 : index
      %get3A_358 = tpu.vector_load %arg11[%get3A_357] {strides = array<i32>} : memref<1024xf32, #tpu.memory_space<vmem>>, vector<16xf32>,
      %get3A_359 = arith.constant 384 : index
      %get3A_360 = tpu.vector_load %arg12[%get3A_359] {strides = array<i32>} : memref<1024xf32, #tpu.memory_space<vmem>>, vector<16xf32>,
      %mul3A_361 = arith.mulf %get3A_358, %get3A_360 : vector<16xf32>
      %swap3A_362 = arith.constant 384 : index
      %swap3A_363 = tpu.vector_load %arg13[%swap3A_362] {strides = array<i32>} : memref<1024xf32, #tpu.memory_space<vmem>>, vector<16xf32>,
      tpu.vector_store %arg13[%swap3A_362], %mul3A_361 {add = true, strides = array<i32>} : memref<1024xf32, #tpu.memory_space<vmem>>, vector<16xf32>,
      %get3A_364 = arith.constant 400 : index
      %get3A_365 = tpu.vector_load %arg11[%get3A_364] {strides = array<i32>} : memref<1024xf32, #tpu.memory_space<vmem>>, vector<16xf32>,
      %get3A_366 = arith.constant 400 : index
      %get3A_367 = tpu.vector_load %arg12[%get3A_366] {strides = array<i32>} : memref<1024xf32, #tpu.memory_space<vmem>>, vector<16xf32>,
      %mul3A_368 = arith.mulf %get3A_365, %get3A_367 : vector<16xf32>
      %swap3A_369 = arith.constant 400 : index
      %swap3A_370 = tpu.vector_load %arg13[%swap3A_369] {strides = array<i32>} : memref<1024xf32, #tpu.memory_space<vmem>>, vector<16xf32>,
      tpu.vector_store %arg13[%swap3A_369], %mul3A_368 {add = true, strides = array<i32>} : memref<1024xf32, #tpu.memory_space<vmem>>, vector<16xf32>,
      %get3A_371 = arith.constant 416 : index
      %get3A_372 = tpu.vector_load %arg11[%get3A_371] {strides = array<i32>} : memref<1024xf32, #tpu.memory_space<vmem>>, vector<16xf32>,
      %get3A_373 = arith.constant 416 : index
      %get3A_374 = tpu.vector_load %arg12[%get3A_373] {strides = array<i32>} : memref<1024xf32, #tpu.memory_space<vmem>>, vector<16xf32>,
      %mul3A_375 = arith.mulf %get3A_372, %get3A_374 : vector<16xf32>
      %swap3A_376 = arith.constant 416 : index
      %swap3A_377 = tpu.vector_load %arg13[%swap3A_376] {strides = array<i32>} : memref<1024xf32, #tpu.memory_space<vmem>>, vector<16xf32>,
      tpu.vector_store %arg13[%swap3A_376], %mul3A_375 {add = true, strides = array<i32>} : memref<1024xf32, #tpu.memory_space<vmem>>, vector<16xf32>,
      %get3A_378 = arith.constant 432 : index
      %get3A_379 = tpu.vector_load %arg11[%get3A_378] {strides = array<i32>} : memref<1024xf32, #tpu.memory_space<vmem>>, vector<16xf32>,
      %get3A_380 = arith.constant 432 : index
      %get3A_381 = tpu.vector_load %arg12[%get3A_380] {strides = array<i32>} : memref<1024xf32, #tpu.memory_space<vmem>>, vector<16xf32>,
      %mul3A_382 = arith.mulf %get3A_379, %get3A_381 : vector<16xf32>
      %swap3A_383 = arith.constant 432 : index
      %swap3A_384 = tpu.vector_load %arg13[%swap3A_383] {strides = array<i32>} : memref<1024xf32, #tpu.memory_space<vmem>>, vector<16xf32>,
      tpu.vector_store %arg13[%swap3A_383], %mul3A_382 {add = true, strides = array<i32>} : memref<1024xf32, #tpu.memory_space<vmem>>, vector<16xf32>,
      %get3A_385 = arith.constant 448 : index
      %get3A_386 = tpu.vector_load %arg11[%get3A_385] {strides = array<i32>} : memref<1024xf32, #tpu.memory_space<vmem>>, vector<16xf32>,
      %get3A_387 = arith.constant 448 : index
      %get3A_388 = tpu.vector_load %arg12[%get3A_387] {strides = array<i32>} : memref<1024xf32, #tpu.memory_space<vmem>>, vector<16xf32>,
      %mul3A_389 = arith.mulf %get3A_386, %get3A_388 : vector<16xf32>
      %swap3A_390 = arith.constant 448 : index
      %swap3A_391 = tpu.vector_load %arg13[%swap3A_390] {strides = array<i32>} : memref<1024xf32, #tpu.memory_space<vmem>>, vector<16xf32>,
      tpu.vector_store %arg13[%swap3A_390], %mul3A_389 {add = true, strides = array<i32>} : memref<1024xf32, #tpu.memory_space<vmem>>, vector<16xf32>,
      %get3A_392 = arith.constant 464 : index
      %get3A_393 = tpu.vector_load %arg11[%get3A_392] {strides = array<i32>} : memref<1024xf32, #tpu.memory_space<vmem>>, vector<16xf32>,
      %get3A_394 = arith.constant 464 : index
      %get3A_395 = tpu.vector_load %arg12[%get3A_394] {strides = array<i32>} : memref<1024xf32, #tpu.memory_space<vmem>>, vector<16xf32>,
      %mul3A_396 = arith.mulf %get3A_393, %get3A_395 : vector<16xf32>
      %swap3A_397 = arith.constant 464 : index
      %swap3A_398 = tpu.vector_load %arg13[%swap3A_397] {strides = array<i32>} : memref<1024xf32, #tpu.memory_space<vmem>>, vector<16xf32>,
      tpu.vector_store %arg13[%swap3A_397], %mul3A_396 {add = true, strides = array<i32>} : memref<1024xf32, #tpu.memory_space<vmem>>, vector<16xf32>,
      %get3A_399 = arith.constant 480 : index
      %get3A_400 = tpu.vector_load %arg11[%get3A_399] {strides = array<i32>} : memref<1024xf32, #tpu.memory_space<vmem>>, vector<16xf32>,
      %get3A_401 = arith.constant 480 : index
      %get3A_402 = tpu.vector_load %arg12[%get3A_401] {strides = array<i32>} : memref<1024xf32, #tpu.memory_space<vmem>>, vector<16xf32>,
      %mul3A_403 = arith.mulf %get3A_400, %get3A_402 : vector<16xf32>
      %swap3A_404 = arith.constant 480 : index
      %swap3A_405 = tpu.vector_load %arg13[%swap3A_404] {strides = array<i32>} : memref<1024xf32, #tpu.memory_space<vmem>>, vector<16xf32>,
      tpu.vector_store %arg13[%swap3A_404], %mul3A_403 {add = true, strides = array<i32>} : memref<1024xf32, #tpu.memory_space<vmem>>, vector<16xf32>,
      %get3A_406 = arith.constant 496 : index
      %get3A_407 = tpu.vector_load %arg11[%get3A_406] {strides = array<i32>} : memref<1024xf32, #tpu.memory_space<vmem>>, vector<16xf32>,
      %get3A_408 = arith.constant 496 : index
      %get3A_409 = tpu.vector_load %arg12[%get3A_408] {strides = array<i32>} : memref<1024xf32, #tpu.memory_space<vmem>>, vector<16xf32>,
      %mul3A_410 = arith.mulf %get3A_407, %get3A_409 : vector<16xf32>
      %swap3A_411 = arith.constant 496 : index
      %swap3A_412 = tpu.vector_load %arg13[%swap3A_411] {strides = array<i32>} : memref<1024xf32, #tpu.memory_space<vmem>>, vector<16xf32>,
      tpu.vector_store %arg13[%swap3A_411], %mul3A_410 {add = true, strides = array<i32>} : memref<1024xf32, #tpu.memory_space<vmem>>, vector<16xf32>,
      %get3A_413 = arith.constant 512 : index
      %get3A_414 = tpu.vector_load %arg11[%get3A_413] {strides = array<i32>} : memref<1024xf32, #tpu.memory_space<vmem>>, vector<16xf32>,
      %get3A_415 = arith.constant 512 : index
      %get3A_416 = tpu.vector_load %arg12[%get3A_415] {strides = array<i32>} : memref<1024xf32, #tpu.memory_space<vmem>>, vector<16xf32>,
      %mul3A_417 = arith.mulf %get3A_414, %get3A_416 : vector<16xf32>
      %swap3A_418 = arith.constant 512 : index
      %swap3A_419 = tpu.vector_load %arg13[%swap3A_418] {strides = array<i32>} : memref<1024xf32, #tpu.memory_space<vmem>>, vector<16xf32>,
      tpu.vector_store %arg13[%swap3A_418], %mul3A_417 {add = true, strides = array<i32>} : memref<1024xf32, #tpu.memory_space<vmem>>, vector<16xf32>,
      %get3A_420 = arith.constant 528 : index
      %get3A_421 = tpu.vector_load %arg11[%get3A_420] {strides = array<i32>} : memref<1024xf32, #tpu.memory_space<vmem>>, vector<16xf32>,
      %get3A_422 = arith.constant 528 : index
      %get3A_423 = tpu.vector_load %arg12[%get3A_422] {strides = array<i32>} : memref<1024xf32, #tpu.memory_space<vmem>>, vector<16xf32>,
      %mul3A_424 = arith.mulf %get3A_421, %get3A_423 : vector<16xf32>
      %swap3A_425 = arith.constant 528 : index
      %swap3A_426 = tpu.vector_load %arg13[%swap3A_425] {strides = array<i32>} : memref<1024xf32, #tpu.memory_space<vmem>>, vector<16xf32>,
      tpu.vector_store %arg13[%swap3A_425], %mul3A_424 {add = true, strides = array<i32>} : memref<1024xf32, #tpu.memory_space<vmem>>, vector<16xf32>,
      %get3A_427 = arith.constant 544 : index
      %get3A_428 = tpu.vector_load %arg11[%get3A_427] {strides = array<i32>} : memref<1024xf32, #tpu.memory_space<vmem>>, vector<16xf32>,
      %get3A_429 = arith.constant 544 : index
      %get3A_430 = tpu.vector_load %arg12[%get3A_429] {strides = array<i32>} : memref<1024xf32, #tpu.memory_space<vmem>>, vector<16xf32>,
      %mul3A_431 = arith.mulf %get3A_428, %get3A_430 : vector<16xf32>
      %swap3A_432 = arith.constant 544 : index
      %swap3A_433 = tpu.vector_load %arg13[%swap3A_432] {strides = array<i32>} : memref<1024xf32, #tpu.memory_space<vmem>>, vector<16xf32>,
      tpu.vector_store %arg13[%swap3A_432], %mul3A_431 {add = true, strides = array<i32>} : memref<1024xf32, #tpu.memory_space<vmem>>, vector<16xf32>,
      %get3A_434 = arith.constant 560 : index
      %get3A_435 = tpu.vector_load %arg11[%get3A_434] {strides = array<i32>} : memref<1024xf32, #tpu.memory_space<vmem>>, vector<16xf32>,
      %get3A_436 = arith.constant 560 : index
      %get3A_437 = tpu.vector_load %arg12[%get3A_436] {strides = array<i32>} : memref<1024xf32, #tpu.memory_space<vmem>>, vector<16xf32>,
      %mul3A_438 = arith.mulf %get3A_435, %get3A_437 : vector<16xf32>
      %swap3A_439 = arith.constant 560 : index
      %swap3A_440 = tpu.vector_load %arg13[%swap3A_439] {strides = array<i32>} : memref<1024xf32, #tpu.memory_space<vmem>>, vector<16xf32>,
      tpu.vector_store %arg13[%swap3A_439], %mul3A_438 {add = true, strides = array<i32>} : memref<1024xf32, #tpu.memory_space<vmem>>, vector<16xf32>,
      %get3A_441 = arith.constant 576 : index
      %get3A_442 = tpu.vector_load %arg11[%get3A_441] {strides = array<i32>} : memref<1024xf32, #tpu.memory_space<vmem>>, vector<16xf32>,
      %get3A_443 = arith.constant 576 : index
      %get3A_444 = tpu.vector_load %arg12[%get3A_443] {strides = array<i32>} : memref<1024xf32, #tpu.memory_space<vmem>>, vector<16xf32>,
      %mul3A_445 = arith.mulf %get3A_442, %get3A_444 : vector<16xf32>
      %swap3A_446 = arith.constant 576 : index
      %swap3A_447 = tpu.vector_load %arg13[%swap3A_446] {strides = array<i32>} : memref<1024xf32, #tpu.memory_space<vmem>>, vector<16xf32>,
      tpu.vector_store %arg13[%swap3A_446], %mul3A_445 {add = true, strides = array<i32>} : memref<1024xf32, #tpu.memory_space<vmem>>, vector<16xf32>,
      %get3A_448 = arith.constant 592 : index
      %get3A_449 = tpu.vector_load %arg11[%get3A_448] {strides = array<i32>} : memref<1024xf32, #tpu.memory_space<vmem>>, vector<16xf32>,
      %get3A_450 = arith.constant 592 : index
      %get3A_451 = tpu.vector_load %arg12[%get3A_450] {strides = array<i32>} : memref<1024xf32, #tpu.memory_space<vmem>>, vector<16xf32>,
      %mul3A_452 = arith.mulf %get3A_449, %get3A_451 : vector<16xf32>
      %swap3A_453 = arith.constant 592 : index
      %swap3A_454 = tpu.vector_load %arg13[%swap3A_453] {strides = array<i32>} : memref<1024xf32, #tpu.memory_space<vmem>>, vector<16xf32>,
      tpu.vector_store %arg13[%swap3A_453], %mul3A_452 {add = true, strides = array<i32>} : memref<1024xf32, #tpu.memory_space<vmem>>, vector<16xf32>,
      %get3A_455 = arith.constant 608 : index
      %get3A_456 = tpu.vector_load %arg11[%get3A_455] {strides = array<i32>} : memref<1024xf32, #tpu.memory_space<vmem>>, vector<16xf32>,
      %get3A_457 = arith.constant 608 : index
      %get3A_458 = tpu.vector_load %arg12[%get3A_457] {strides = array<i32>} : memref<1024xf32, #tpu.memory_space<vmem>>, vector<16xf32>,
      %mul3A_459 = arith.mulf %get3A_456, %get3A_458 : vector<16xf32>
      %swap3A_460 = arith.constant 608 : index
      %swap3A_461 = tpu.vector_load %arg13[%swap3A_460] {strides = array<i32>} : memref<1024xf32, #tpu.memory_space<vmem>>, vector<16xf32>,
      tpu.vector_store %arg13[%swap3A_460], %mul3A_459 {add = true, strides = array<i32>} : memref<1024xf32, #tpu.memory_space<vmem>>, vector<16xf32>,
      %get3A_462 = arith.constant 624 : index
      %get3A_463 = tpu.vector_load %arg11[%get3A_462] {strides = array<i32>} : memref<1024xf32, #tpu.memory_space<vmem>>, vector<16xf32>,
      %get3A_464 = arith.constant 624 : index
      %get3A_465 = tpu.vector_load %arg12[%get3A_464] {strides = array<i32>} : memref<1024xf32, #tpu.memory_space<vmem>>, vector<16xf32>,
      %mul3A_466 = arith.mulf %get3A_463, %get3A_465 : vector<16xf32>
      %swap3A_467 = arith.constant 624 : index
      %swap3A_468 = tpu.vector_load %arg13[%swap3A_467] {strides = array<i32>} : memref<1024xf32, #tpu.memory_space<vmem>>, vector<16xf32>,
      tpu.vector_store %arg13[%swap3A_467], %mul3A_466 {add = true, strides = array<i32>} : memref<1024xf32, #tpu.memory_space<vmem>>, vector<16xf32>,
      %get3A_469 = arith.constant 640 : index
      %get3A_470 = tpu.vector_load %arg11[%get3A_469] {strides = array<i32>} : memref<1024xf32, #tpu.memory_space<vmem>>, vector<16xf32>,
      %get3A_471 = arith.constant 640 : index
      %get3A_472 = tpu.vector_load %arg12[%get3A_471] {strides = array<i32>} : memref<1024xf32, #tpu.memory_space<vmem>>, vector<16xf32>,
      %mul3A_473 = arith.mulf %get3A_470, %get3A_472 : vector<16xf32>
      %swap3A_474 = arith.constant 640 : index
      %swap3A_475 = tpu.vector_load %arg13[%swap3A_474] {strides = array<i32>} : memref<1024xf32, #tpu.memory_space<vmem>>, vector<16xf32>,
      tpu.vector_store %arg13[%swap3A_474], %mul3A_473 {add = true, strides = array<i32>} : memref<1024xf32, #tpu.memory_space<vmem>>, vector<16xf32>,
      %get3A_476 = arith.constant 656 : index
      %get3A_477 = tpu.vector_load %arg11[%get3A_476] {strides = array<i32>} : memref<1024xf32, #tpu.memory_space<vmem>>, vector<16xf32>,
      %get3A_478 = arith.constant 656 : index
      %get3A_479 = tpu.vector_load %arg12[%get3A_478] {strides = array<i32>} : memref<1024xf32, #tpu.memory_space<vmem>>, vector<16xf32>,
      %mul3A_480 = arith.mulf %get3A_477, %get3A_479 : vector<16xf32>
      %swap3A_481 = arith.constant 656 : index
      %swap3A_482 = tpu.vector_load %arg13[%swap3A_481] {strides = array<i32>} : memref<1024xf32, #tpu.memory_space<vmem>>, vector<16xf32>,
      tpu.vector_store %arg13[%swap3A_481], %mul3A_480 {add = true, strides = array<i32>} : memref<1024xf32, #tpu.memory_space<vmem>>, vector<16xf32>,
      %get3A_483 = arith.constant 672 : index
      %get3A_484 = tpu.vector_load %arg11[%get3A_483] {strides = array<i32>} : memref<1024xf32, #tpu.memory_space<vmem>>, vector<16xf32>,
      %get3A_485 = arith.constant 672 : index
      %get3A_486 = tpu.vector_load %arg12[%get3A_485] {strides = array<i32>} : memref<1024xf32, #tpu.memory_space<vmem>>, vector<16xf32>,
      %mul3A_487 = arith.mulf %get3A_484, %get3A_486 : vector<16xf32>
      %swap3A_488 = arith.constant 672 : index
      %swap3A_489 = tpu.vector_load %arg13[%swap3A_488] {strides = array<i32>} : memref<1024xf32, #tpu.memory_space<vmem>>, vector<16xf32>,
      tpu.vector_store %arg13[%swap3A_488], %mul3A_487 {add = true, strides = array<i32>} : memref<1024xf32, #tpu.memory_space<vmem>>, vector<16xf32>,
      %get3A_490 = arith.constant 688 : index
      %get3A_491 = tpu.vector_load %arg11[%get3A_490] {strides = array<i32>} : memref<1024xf32, #tpu.memory_space<vmem>>, vector<16xf32>,
      %get3A_492 = arith.constant 688 : index
      %get3A_493 = tpu.vector_load %arg12[%get3A_492] {strides = array<i32>} : memref<1024xf32, #tpu.memory_space<vmem>>, vector<16xf32>,
      %mul3A_494 = arith.mulf %get3A_491, %get3A_493 : vector<16xf32>
      %swap3A_495 = arith.constant 688 : index
      %swap3A_496 = tpu.vector_load %arg13[%swap3A_495] {strides = array<i32>} : memref<1024xf32, #tpu.memory_space<vmem>>, vector<16xf32>,
      tpu.vector_store %arg13[%swap3A_495], %mul3A_494 {add = true, strides = array<i32>} : memref<1024xf32, #tpu.memory_space<vmem>>, vector<16xf32>,
      %get3A_497 = arith.constant 704 : index
      %get3A_498 = tpu.vector_load %arg11[%get3A_497] {strides = array<i32>} : memref<1024xf32, #tpu.memory_space<vmem>>, vector<16xf32>,
      %get3A_499 = arith.constant 704 : index
      %get3A_500 = tpu.vector_load %arg12[%get3A_499] {strides = array<i32>} : memref<1024xf32, #tpu.memory_space<vmem>>, vector<16xf32>,
      %mul3A_501 = arith.mulf %get3A_498, %get3A_500 : vector<16xf32>
      %swap3A_502 = arith.constant 704 : index
      %swap3A_503 = tpu.vector_load %arg13[%swap3A_502] {strides = array<i32>} : memref<1024xf32, #tpu.memory_space<vmem>>, vector<16xf32>,
      tpu.vector_store %arg13[%swap3A_502], %mul3A_501 {add = true, strides = array<i32>} : memref<1024xf32, #tpu.memory_space<vmem>>, vector<16xf32>,
      %get3A_504 = arith.constant 720 : index
      %get3A_505 = tpu.vector_load %arg11[%get3A_504] {strides = array<i32>} : memref<1024xf32, #tpu.memory_space<vmem>>, vector<16xf32>,
      %get3A_506 = arith.constant 720 : index
      %get3A_507 = tpu.vector_load %arg12[%get3A_506] {strides = array<i32>} : memref<1024xf32, #tpu.memory_space<vmem>>, vector<16xf32>,
      %mul3A_508 = arith.mulf %get3A_505, %get3A_507 : vector<16xf32>
      %swap3A_509 = arith.constant 720 : index
      %swap3A_510 = tpu.vector_load %arg13[%swap3A_509] {strides = array<i32>} : memref<1024xf32, #tpu.memory_space<vmem>>, vector<16xf32>,
      tpu.vector_store %arg13[%swap3A_509], %mul3A_508 {add = true, strides = array<i32>} : memref<1024xf32, #tpu.memory_space<vmem>>, vector<16xf32>,
      %get3A_511 = arith.constant 736 : index
      %get3A_512 = tpu.vector_load %arg11[%get3A_511] {strides = array<i32>} : memref<1024xf32, #tpu.memory_space<vmem>>, vector<16xf32>,
      %get3A_513 = arith.constant 736 : index
      %get3A_514 = tpu.vector_load %arg12[%get3A_513] {strides = array<i32>} : memref<1024xf32, #tpu.memory_space<vmem>>, vector<16xf32>,
      %mul3A_515 = arith.mulf %get3A_512, %get3A_514 : vector<16xf32>
      %swap3A_516 = arith.constant 736 : index
      %swap3A_517 = tpu.vector_load %arg13[%swap3A_516] {strides = array<i32>} : memref<1024xf32, #tpu.memory_space<vmem>>, vector<16xf32>,
      tpu.vector_store %arg13[%swap3A_516], %mul3A_515 {add = true, strides = array<i32>} : memref<1024xf32, #tpu.memory_space<vmem>>, vector<16xf32>,
      %get3A_518 = arith.constant 752 : index
      %get3A_519 = tpu.vector_load %arg11[%get3A_518] {strides = array<i32>} : memref<1024xf32, #tpu.memory_space<vmem>>, vector<16xf32>,
      %get3A_520 = arith.constant 752 : index
      %get3A_521 = tpu.vector_load %arg12[%get3A_520] {strides = array<i32>} : memref<1024xf32, #tpu.memory_space<vmem>>, vector<16xf32>,
      %mul3A_522 = arith.mulf %get3A_519, %get3A_521 : vector<16xf32>
      %swap3A_523 = arith.constant 752 : index
      %swap3A_524 = tpu.vector_load %arg13[%swap3A_523] {strides = array<i32>} : memref<1024xf32, #tpu.memory_space<vmem>>, vector<16xf32>,
      tpu.vector_store %arg13[%swap3A_523], %mul3A_522 {add = true, strides = array<i32>} : memref<1024xf32, #tpu.memory_space<vmem>>, vector<16xf32>,
      %get3A_525 = arith.constant 768 : index
      %get3A_526 = tpu.vector_load %arg11[%get3A_525] {strides = array<i32>} : memref<1024xf32, #tpu.memory_space<vmem>>, vector<16xf32>,
      %get3A_527 = arith.constant 768 : index
      %get3A_528 = tpu.vector_load %arg12[%get3A_527] {strides = array<i32>} : memref<1024xf32, #tpu.memory_space<vmem>>, vector<16xf32>,
      %mul3A_529 = arith.mulf %get3A_526, %get3A_528 : vector<16xf32>
      %swap3A_530 = arith.constant 768 : index
      %swap3A_531 = tpu.vector_load %arg13[%swap3A_530] {strides = array<i32>} : memref<1024xf32, #tpu.memory_space<vmem>>, vector<16xf32>,
      tpu.vector_store %arg13[%swap3A_530], %mul3A_529 {add = true, strides = array<i32>} : memref<1024xf32, #tpu.memory_space<vmem>>, vector<16xf32>,
      %get3A_532 = arith.constant 784 : index
      %get3A_533 = tpu.vector_load %arg11[%get3A_532] {strides = array<i32>} : memref<1024xf32, #tpu.memory_space<vmem>>, vector<16xf32>,
      %get3A_534 = arith.constant 784 : index
      %get3A_535 = tpu.vector_load %arg12[%get3A_534] {strides = array<i32>} : memref<1024xf32, #tpu.memory_space<vmem>>, vector<16xf32>,
      %mul3A_536 = arith.mulf %get3A_533, %get3A_535 : vector<16xf32>
      %swap3A_537 = arith.constant 784 : index
      %swap3A_538 = tpu.vector_load %arg13[%swap3A_537] {strides = array<i32>} : memref<1024xf32, #tpu.memory_space<vmem>>, vector<16xf32>,
      tpu.vector_store %arg13[%swap3A_537], %mul3A_536 {add = true, strides = array<i32>} : memref<1024xf32, #tpu.memory_space<vmem>>, vector<16xf32>,
      %get3A_539 = arith.constant 800 : index
      %get3A_540 = tpu.vector_load %arg11[%get3A_539] {strides = array<i32>} : memref<1024xf32, #tpu.memory_space<vmem>>, vector<16xf32>,
      %get3A_541 = arith.constant 800 : index
      %get3A_542 = tpu.vector_load %arg12[%get3A_541] {strides = array<i32>} : memref<1024xf32, #tpu.memory_space<vmem>>, vector<16xf32>,
      %mul3A_543 = arith.mulf %get3A_540, %get3A_542 : vector<16xf32>
      %swap3A_544 = arith.constant 800 : index
      %swap3A_545 = tpu.vector_load %arg13[%swap3A_544] {strides = array<i32>} : memref<1024xf32, #tpu.memory_space<vmem>>, vector<16xf32>,
      tpu.vector_store %arg13[%swap3A_544], %mul3A_543 {add = true, strides = array<i32>} : memref<1024xf32, #tpu.memory_space<vmem>>, vector<16xf32>,
      %get3A_546 = arith.constant 816 : index
      %get3A_547 = tpu.vector_load %arg11[%get3A_546] {strides = array<i32>} : memref<1024xf32, #tpu.memory_space<vmem>>, vector<16xf32>,
      %get3A_548 = arith.constant 816 : index
      %get3A_549 = tpu.vector_load %arg12[%get3A_548] {strides = array<i32>} : memref<1024xf32, #tpu.memory_space<vmem>>, vector<16xf32>,
      %mul3A_550 = arith.mulf %get3A_547, %get3A_549 : vector<16xf32>
      %swap3A_551 = arith.constant 816 : index
      %swap3A_552 = tpu.vector_load %arg13[%swap3A_551] {strides = array<i32>} : memref<1024xf32, #tpu.memory_space<vmem>>, vector<16xf32>,
      tpu.vector_store %arg13[%swap3A_551], %mul3A_550 {add = true, strides = array<i32>} : memref<1024xf32, #tpu.memory_space<vmem>>, vector<16xf32>,
      %get3A_553 = arith.constant 832 : index
      %get3A_554 = tpu.vector_load %arg11[%get3A_553] {strides = array<i32>} : memref<1024xf32, #tpu.memory_space<vmem>>, vector<16xf32>,
      %get3A_555 = arith.constant 832 : index
      %get3A_556 = tpu.vector_load %arg12[%get3A_555] {strides = array<i32>} : memref<1024xf32, #tpu.memory_space<vmem>>, vector<16xf32>,
      %mul3A_557 = arith.mulf %get3A_554, %get3A_556 : vector<16xf32>
      %swap3A_558 = arith.constant 832 : index
      %swap3A_559 = tpu.vector_load %arg13[%swap3A_558] {strides = array<i32>} : memref<1024xf32, #tpu.memory_space<vmem>>, vector<16xf32>,
      tpu.vector_store %arg13[%swap3A_558], %mul3A_557 {add = true, strides = array<i32>} : memref<1024xf32, #tpu.memory_space<vmem>>, vector<16xf32>,
      %get3A_560 = arith.constant 848 : index
      %get3A_561 = tpu.vector_load %arg11[%get3A_560] {strides = array<i32>} : memref<1024xf32, #tpu.memory_space<vmem>>, vector<16xf32>,
      %get3A_562 = arith.constant 848 : index
      %get3A_563 = tpu.vector_load %arg12[%get3A_562] {strides = array<i32>} : memref<1024xf32, #tpu.memory_space<vmem>>, vector<16xf32>,
      %mul3A_564 = arith.mulf %get3A_561, %get3A_563 : vector<16xf32>
      %swap3A_565 = arith.constant 848 : index
      %swap3A_566 = tpu.vector_load %arg13[%swap3A_565] {strides = array<i32>} : memref<1024xf32, #tpu.memory_space<vmem>>, vector<16xf32>,
      tpu.vector_store %arg13[%swap3A_565], %mul3A_564 {add = true, strides = array<i32>} : memref<1024xf32, #tpu.memory_space<vmem>>, vector<16xf32>,
      %get3A_567 = arith.constant 864 : index
      %get3A_568 = tpu.vector_load %arg11[%get3A_567] {strides = array<i32>} : memref<1024xf32, #tpu.memory_space<vmem>>, vector<16xf32>,
      %get3A_569 = arith.constant 864 : index
      %get3A_570 = tpu.vector_load %arg12[%get3A_569] {strides = array<i32>} : memref<1024xf32, #tpu.memory_space<vmem>>, vector<16xf32>,
      %mul3A_571 = arith.mulf %get3A_568, %get3A_570 : vector<16xf32>
      %swap3A_572 = arith.constant 864 : index
      %swap3A_573 = tpu.vector_load %arg13[%swap3A_572] {strides = array<i32>} : memref<1024xf32, #tpu.memory_space<vmem>>, vector<16xf32>,
      tpu.vector_store %arg13[%swap3A_572], %mul3A_571 {add = true, strides = array<i32>} : memref<1024xf32, #tpu.memory_space<vmem>>, vector<16xf32>,
      %get3A_574 = arith.constant 880 : index
      %get3A_575 = tpu.vector_load %arg11[%get3A_574] {strides = array<i32>} : memref<1024xf32, #tpu.memory_space<vmem>>, vector<16xf32>,
      %get3A_576 = arith.constant 880 : index
      %get3A_577 = tpu.vector_load %arg12[%get3A_576] {strides = array<i32>} : memref<1024xf32, #tpu.memory_space<vmem>>, vector<16xf32>,
      %mul3A_578 = arith.mulf %get3A_575, %get3A_577 : vector<16xf32>
      %swap3A_579 = arith.constant 880 : index
      %swap3A_580 = tpu.vector_load %arg13[%swap3A_579] {strides = array<i32>} : memref<1024xf32, #tpu.memory_space<vmem>>, vector<16xf32>,
      tpu.vector_store %arg13[%swap3A_579], %mul3A_578 {add = true, strides = array<i32>} : memref<1024xf32, #tpu.memory_space<vmem>>, vector<16xf32>,
      %get3A_581 = arith.constant 896 : index
      %get3A_582 = tpu.vector_load %arg11[%get3A_581] {strides = array<i32>} : memref<1024xf32, #tpu.memory_space<vmem>>, vector<16xf32>,
      %get3A_583 = arith.constant 896 : index
      %get3A_584 = tpu.vector_load %arg12[%get3A_583] {strides = array<i32>} : memref<1024xf32, #tpu.memory_space<vmem>>, vector<16xf32>,
      %mul3A_585 = arith.mulf %get3A_582, %get3A_584 : vector<16xf32>
      %swap3A_586 = arith.constant 896 : index
      %swap3A_587 = tpu.vector_load %arg13[%swap3A_586] {strides = array<i32>} : memref<1024xf32, #tpu.memory_space<vmem>>, vector<16xf32>,
      tpu.vector_store %arg13[%swap3A_586], %mul3A_585 {add = true, strides = array<i32>} : memref<1024xf32, #tpu.memory_space<vmem>>, vector<16xf32>,
      %get3A_588 = arith.constant 912 : index
      %get3A_589 = tpu.vector_load %arg11[%get3A_588] {strides = array<i32>} : memref<1024xf32, #tpu.memory_space<vmem>>, vector<16xf32>,
      %get3A_590 = arith.constant 912 : index
      %get3A_591 = tpu.vector_load %arg12[%get3A_590] {strides = array<i32>} : memref<1024xf32, #tpu.memory_space<vmem>>, vector<16xf32>,
      %mul3A_592 = arith.mulf %get3A_589, %get3A_591 : vector<16xf32>
      %swap3A_593 = arith.constant 912 : index
      %swap3A_594 = tpu.vector_load %arg13[%swap3A_593] {strides = array<i32>} : memref<1024xf32, #tpu.memory_space<vmem>>, vector<16xf32>,
      tpu.vector_store %arg13[%swap3A_593], %mul3A_592 {add = true, strides = array<i32>} : memref<1024xf32, #tpu.memory_space<vmem>>, vector<16xf32>,
      %get3A_595 = arith.constant 928 : index
      %get3A_596 = tpu.vector_load %arg11[%get3A_595] {strides = array<i32>} : memref<1024xf32, #tpu.memory_space<vmem>>, vector<16xf32>,
      %get3A_597 = arith.constant 928 : index
      %get3A_598 = tpu.vector_load %arg12[%get3A_597] {strides = array<i32>} : memref<1024xf32, #tpu.memory_space<vmem>>, vector<16xf32>,
      %mul3A_599 = arith.mulf %get3A_596, %get3A_598 : vector<16xf32>
      %swap3A_600 = arith.constant 928 : index
      %swap3A_601 = tpu.vector_load %arg13[%swap3A_600] {strides = array<i32>} : memref<1024xf32, #tpu.memory_space<vmem>>, vector<16xf32>,
      tpu.vector_store %arg13[%swap3A_600], %mul3A_599 {add = true, strides = array<i32>} : memref<1024xf32, #tpu.memory_space<vmem>>, vector<16xf32>,
      %get3A_602 = arith.constant 944 : index
      %get3A_603 = tpu.vector_load %arg11[%get3A_602] {strides = array<i32>} : memref<1024xf32, #tpu.memory_space<vmem>>, vector<16xf32>,
      %get3A_604 = arith.constant 944 : index
      %get3A_605 = tpu.vector_load %arg12[%get3A_604] {strides = array<i32>} : memref<1024xf32, #tpu.memory_space<vmem>>, vector<16xf32>,
      %mul3A_606 = arith.mulf %get3A_603, %get3A_605 : vector<16xf32>
      %swap3A_607 = arith.constant 944 : index
      %swap3A_608 = tpu.vector_load %arg13[%swap3A_607] {strides = array<i32>} : memref<1024xf32, #tpu.memory_space<vmem>>, vector<16xf32>,
      tpu.vector_store %arg13[%swap3A_607], %mul3A_606 {add = true, strides = array<i32>} : memref<1024xf32, #tpu.memory_space<vmem>>, vector<16xf32>,
      %get3A_609 = arith.constant 960 : index
      %get3A_610 = tpu.vector_load %arg11[%get3A_609] {strides = array<i32>} : memref<1024xf32, #tpu.memory_space<vmem>>, vector<16xf32>,
      %get3A_611 = arith.constant 960 : index
      %get3A_612 = tpu.vector_load %arg12[%get3A_611] {strides = array<i32>} : memref<1024xf32, #tpu.memory_space<vmem>>, vector<16xf32>,
      %mul3A_613 = arith.mulf %get3A_610, %get3A_612 : vector<16xf32>
      %swap3A_614 = arith.constant 960 : index
      %swap3A_615 = tpu.vector_load %arg13[%swap3A_614] {strides = array<i32>} : memref<1024xf32, #tpu.memory_space<vmem>>, vector<16xf32>,
      tpu.vector_store %arg13[%swap3A_614], %mul3A_613 {add = true, strides = array<i32>} : memref<1024xf32, #tpu.memory_space<vmem>>, vector<16xf32>,
      %get3A_616 = arith.constant 976 : index
      %get3A_617 = tpu.vector_load %arg11[%get3A_616] {strides = array<i32>} : memref<1024xf32, #tpu.memory_space<vmem>>, vector<16xf32>,
      %get3A_618 = arith.constant 976 : index
      %get3A_619 = tpu.vector_load %arg12[%get3A_618] {strides = array<i32>} : memref<1024xf32, #tpu.memory_space<vmem>>, vector<16xf32>,
      %mul3A_620 = arith.mulf %get3A_617, %get3A_619 : vector<16xf32>
      %swap3A_621 = arith.constant 976 : index
      %swap3A_622 = tpu.vector_load %arg13[%swap3A_621] {strides = array<i32>} : memref<1024xf32, #tpu.memory_space<vmem>>, vector<16xf32>,
      tpu.vector_store %arg13[%swap3A_621], %mul3A_620 {add = true, strides = array<i32>} : memref<1024xf32, #tpu.memory_space<vmem>>, vector<16xf32>,
      %get3A_623 = arith.constant 992 : index
      %get3A_624 = tpu.vector_load %arg11[%get3A_623] {strides = array<i32>} : memref<1024xf32, #tpu.memory_space<vmem>>, vector<16xf32>,
      %get3A_625 = arith.constant 992 : index
      %get3A_626 = tpu.vector_load %arg12[%get3A_625] {strides = array<i32>} : memref<1024xf32, #tpu.memory_space<vmem>>, vector<16xf32>,
      %mul3A_627 = arith.mulf %get3A_624, %get3A_626 : vector<16xf32>
      %swap3A_628 = arith.constant 992 : index
      %swap3A_629 = tpu.vector_load %arg13[%swap3A_628] {strides = array<i32>} : memref<1024xf32, #tpu.memory_space<vmem>>, vector<16xf32>,
      tpu.vector_store %arg13[%swap3A_628], %mul3A_627 {add = true, strides = array<i32>} : memref<1024xf32, #tpu.memory_space<vmem>>, vector<16xf32>,
      %get3A_630 = arith.constant 1008 : index
      %get3A_631 = tpu.vector_load %arg11[%get3A_630] {strides = array<i32>} : memref<1024xf32, #tpu.memory_space<vmem>>, vector<16xf32>,
      %get3A_632 = arith.constant 1008 : index
      %get3A_633 = tpu.vector_load %arg12[%get3A_632] {strides = array<i32>} : memref<1024xf32, #tpu.memory_space<vmem>>, vector<16xf32>,
      %mul3A_634 = arith.mulf %get3A_631, %get3A_633 : vector<16xf32>
      %swap3A_635 = arith.constant 1008 : index
      %swap3A_636 = tpu.vector_load %arg13[%swap3A_635] {strides = array<i32>} : memref<1024xf32, #tpu.memory_space<vmem>>, vector<16xf32>,
      tpu.vector_store %arg13[%swap3A_635], %mul3A_634 {add = true, strides = array<i32>} : memref<1024xf32, #tpu.memory_space<vmem>>, vector<16xf32>,
      %scan3A_637 = arith.constant 0 : i32
      scf.yield %scan3A_637 : i32
    }
    %scan3A_142 = arith.constant 32 : i32
    "tpu.region"() ({
      %run_scoped3A = tpu.sem_alloc : memref<!tpu.dma_semaphore, #tpu.memory_space<semaphore_mem>>
      %dma_start3A = arith.constant 0 : i32
      %dma_start3A_143 = tpu.memref_slice %arg8[%arg0, %dma_start3A] : memref<2x16384xf32, #tpu.memory_space<hbm>> -> memref<1x16384xf32, #tpu.memory_space<hbm>>
      %dma_start3A_144 = tpu.memref_squeeze %dma_start3A_143 : memref<1x16384xf32, #tpu.memory_space<hbm>> -> memref<16384xf32, #tpu.memory_space<hbm>>
      %dma_start3A_145 = tpu.memref_slice %dma_start3A_144[%mul3A_0] : memref<16384xf32, #tpu.memory_space<hbm>> -> memref<1024xf32, #tpu.memory_space<hbm>>
      %dma_start3A_146 = arith.constant 0 : i32
      %dma_start3A_147 = tpu.memref_slice %arg8[%arg0, %dma_start3A_146] : memref<2x16384xf32, #tpu.memory_space<hbm>> -> memref<1x16384xf32, #tpu.memory_space<hbm>>
      %dma_start3A_148 = tpu.memref_squeeze %dma_start3A_147 : memref<1x16384xf32, #tpu.memory_space<hbm>> -> memref<16384xf32, #tpu.memory_space<hbm>>
      %dma_start3A_149 = tpu.memref_slice %dma_start3A_148[%mul3A_0] : memref<16384xf32, #tpu.memory_space<hbm>> -> memref<1024xf32, #tpu.memory_space<hbm>>
      tpu.enqueue_dma source(%arg13 : memref<1024xf32, #tpu.memory_space<vmem>>) target(%dma_start3A_149 : memref<1024xf32, #tpu.memory_space<hbm>>) target_semaphore(%run_scoped3A : memref<!tpu.dma_semaphore, #tpu.memory_space<semaphore_mem>>)
      %dma_wait3A = arith.constant 0 : i32
      %dma_wait3A_150 = tpu.memref_slice %arg8[%arg0, %dma_wait3A] : memref<2x16384xf32, #tpu.memory_space<hbm>> -> memref<1x16384xf32, #tpu.memory_space<hbm>>
      %dma_wait3A_151 = tpu.memref_squeeze %dma_wait3A_150 : memref<1x16384xf32, #tpu.memory_space<hbm>> -> memref<16384xf32, #tpu.memory_space<hbm>>
      %dma_wait3A_152 = tpu.memref_slice %dma_wait3A_151[%mul3A_0] : memref<16384xf32, #tpu.memory_space<hbm>> -> memref<1024xf32, #tpu.memory_space<hbm>>
      %dma_wait3A_153 = arith.constant 0 : i32
      %dma_wait3A_154 = tpu.memref_slice %arg8[%arg0, %dma_wait3A_153] : memref<2x16384xf32, #tpu.memory_space<hbm>> -> memref<1x16384xf32, #tpu.memory_space<hbm>>
      %dma_wait3A_155 = tpu.memref_squeeze %dma_wait3A_154 : memref<1x16384xf32, #tpu.memory_space<hbm>> -> memref<16384xf32, #tpu.memory_space<hbm>>
      %dma_wait3A_156 = tpu.memref_slice %dma_wait3A_155[%mul3A_0] : memref<16384xf32, #tpu.memory_space<hbm>> -> memref<1024xf32, #tpu.memory_space<hbm>>
      tpu.wait_dma2 semaphore(%run_scoped3A : memref<!tpu.dma_semaphore, #tpu.memory_space<semaphore_mem>>) src(%arg13 : memref<1024xf32, #tpu.memory_space<vmem>>) dst(%dma_wait3A_156 : memref<1024xf32, #tpu.memory_space<hbm>>)
      tpu.yield
    }) : () -> ()
    return
  }
}

</mosaic_0001>

<sc_bundles>
// kernel: kernel.3.cloned.1.call-start
scs
__scs_entry_jumppad:
0x0: {  	(pc) =	sbr.rel $0x88, $3  }
0x1: {  	(tag) =	ssettag $0x0;
	lr =	simm.s32 $0x1  }
0x2: {  	[smem:$0x3F9D] =	sst lr;
	_ =	strace $0xD0000000  }
0x3: {  	_ = 	snop  }
0x4: {  	_ = 	snop  }
0x5: {  	_ = 	snop  }
0x6: {  	_ = 	snop  }
0x7: {  	_ = 	snop  }
__scs_overlays_trampoline_lowered:
0x8: {  	[smem:$0x3FAC] =	sst s0  }
0x9: {  	[smem:$0x3FAD] =	sst s1  }
0xa: {  	[smem:$0x3FAE] =	sst s2  }
0xb: {  	[smem:$0x3FAF] =	sst s3  }
0xc: {  	[smem:$0x3FB0] =	sst s4  }
0xd: {  	[smem:$0x3FB1] =	sst s5  }
0xe: {  	[smem:$0x3FB2] =	sst s6  }
0xf: {  	[smem:$0x3FB3] =	sst s7  }
0x10: {  	[smem:$0x3FB4] =	sst s8  }
0x11: {  	[smem:$0x3FB5] =	sst s9;
	s0 =	simm.s32 @!p0 $0x0  }
0x12: {  	s1 =	sld [smem:$0x3F9B];
	s0 =	simm.s32 @p0 $0x1  }
0x13: {  	[smem:$0x3FB6] =	sst s0;
	s0 =	simm.s32 @!p1 $0x0  }
0x14: {  	s2 =	sld [smem:$0x3F9A];
	s0 =	simm.s32 @p1 $0x1  }
0x15: {  	[smem:$0x3FB7] =	sst s0;
	s0 =	simm.s32 @!p2 $0x0  }
0x16: {  	s3 =	sld [smem:$0x3FDB];
	s0 =	simm.s32 @p2 $0x1  }
0x17: {  	s4 =	simm.s32 $0x1BF5;
	[smem:$0x3FB9] =	sst s0  }
0x18: {  	s0 =	sld [smem:$0x3F9C];
	_ =	swait.ge [sflag:s4], $0x0  }
0x19: {  	s7 =	sld [smem:$0x3F9D]  }
0x1a: {  	s8 =	sadd.s32 $0xFFFFE003, lr  }
0x1b: {  	s9 =	sadd.s32 $0xFFFFFEF7, lr;
	s5 =	simm.s32 $0xFFFFFFFF;
	p2 =	slt.u32 s8, $0xFFFFF086  }
0x1c: {  	p1 =	slt.u32 s9, $0xF7A;
	s5 =	simm.s32 @!p2 $0x0  }
0x1d: {  	s5 =	simm.s32 @p1 $0x1;
	p0 =	seq.s32 s7, s2  }
0x1e: {  	s7 =	smul.u32 @!p0 $0xF7A, s2;
	p2 =	seq.s32 @!p0 s5, $0x0  }
0x1f: {  	s9 =	smul.u32 $0xF7A, s1;
	s8 =	simm.s32 @!p0 $0x1BF5;
	p2 =	por !p2, p0  }
0x20: {  	[sflag:s8] =	ssyncset.s32 @!p0 $0xFFFFF086;
	s6 =	sadd.s32 @!p0 s3, s7;
	s7 =	simm.s32 @!p0 $0x108  }
0x21: {  	s3 =	sadd.s32 s3, s9;
	s6 =	sadd.s32 @!p0 $0x88, s6;
	s7 =	simm.s32 @p2 $0x1082  }
0x22: {  	[simem:s7], [sflag:s8] =	dma.local @!p0 [hbm:s6], $0xF7A  }
0x23: {  	s9 =	sor.u32 $0xD0000000, s2;
	s6 =	simm.s32 $0x108;
	_ =	swait.ge @!p0 [sflag:s8], $0x0  }
0x24: {  	s3 =	sadd.s32 $0x88, s3;
	s6 =	simm.s32 @!p1 $0x1082;
	[sflag:s4] =	ssyncset.s32 $0xFFFFF086  }
0x25: {  	[simem:s6], [sflag:s4] =	dma.local [hbm:s3], $0xF7A  }
0x26: {  	[smem:$0x3F9D] =	sst s1;
	(tag) =	ssettag s2;
	_ =	strace s9  }
0x27: {  	s1 =	sld [smem:$0x3FAD]  }
0x28: {  	s2 =	sld [smem:$0x3FAE]  }
0x29: {  	s4 =	sld [smem:$0x3FB0]  }
0x2a: {  	p0 =	seq.s32 s5, $0x0;
	s5 =	sld [smem:$0x3FB1]  }
0x2b: {  	s6 =	sld [smem:$0x3FB2]  }
0x2c: {  	s7 =	sld [smem:$0x3FB3]  }
0x2d: {  	s3 =	simm.s32 $0x108;
	s8 =	sld [smem:$0x3FB4]  }
0x2e: {  	s3 =	simm.s32 @!p0 $0x1082;
	s9 =	sld [smem:$0x3FB5]  }
0x2f: {  	lr =	sadd.s32 s0, s3;
	s0 =	sld [smem:$0x3FAC]  }
0x30: {  	s3 =	sld [smem:$0x3FAF]  }
0x31: {  	[smem:$0x3FB8] =	sst s10  }
0x32: {  	s10 =	sld [smem:$0x3FB6];
	_ =	sdelay $0x3  }
0x33: {  	p0 =	seq.s32 s10, $0x1;
	s10 =	sld [smem:$0x3FB8];
	_ =	sdelay $0x3  }
0x34: {  	[smem:$0x3FB8] =	sst s10  }
0x35: {  	s10 =	sld [smem:$0x3FB7];
	_ =	sdelay $0x3  }
0x36: {  	p1 =	seq.s32 s10, $0x1;
	s10 =	sld [smem:$0x3FB8];
	_ =	sdelay $0x3  }
0x37: {  	[smem:$0x3FB8] =	sst s10  }
0x38: {  	s10 =	sld [smem:$0x3FB9]  }
0x39: {  	_ = 	snop;
	(pc) =	sbr.ind lr, $3  }
0x3a: {  	_ = 	snop  }
0x3b: {  	_ = 	snop  }
0x3c: {  	p2 =	seq.s32 s10, $0x1;
	s10 =	sld [smem:$0x3FB8]  }
0x3d: {  	_ =	shalt  }
0x3e: {  	_ =	shalt  }
0x3f: {  	_ =	shalt  }
0x40: {  	_ =	shalt  }
0x41: {  	_ =	shalt  }
0x42: {  	_ =	shalt  }
0x43: {  	_ =	shalt  }
0x44: {  	_ =	shalt  }
0x45: {  	_ =	shalt  }
0x46: {  	_ =	shalt  }
0x47: {  	_ =	shalt  }
0x48: {  	_ =	shalt  }
0x49: {  	_ =	shalt  }
0x4a: {  	_ =	shalt  }
0x4b: {  	_ =	shalt  }
0x4c: {  	_ =	shalt  }
0x4d: {  	_ =	shalt  }
0x4e: {  	_ =	shalt  }
0x4f: {  	_ =	shalt  }
0x50: {  	_ =	shalt  }
0x51: {  	_ =	shalt  }
0x52: {  	_ =	shalt  }
0x53: {  	_ =	shalt  }
0x54: {  	_ =	shalt  }
0x55: {  	_ =	shalt  }
0x56: {  	_ =	shalt  }
0x57: {  	_ =	shalt  }
0x58: {  	_ =	shalt  }
0x59: {  	_ =	shalt  }
0x5a: {  	_ =	shalt  }
0x5b: {  	_ =	shalt  }
0x5c: {  	_ =	shalt  }
0x5d: {  	_ =	shalt  }
0x5e: {  	_ =	shalt  }
0x5f: {  	_ =	shalt  }
0x60: {  	_ =	shalt  }
0x61: {  	_ =	shalt  }
0x62: {  	_ =	shalt  }
0x63: {  	_ =	shalt  }
0x64: {  	_ =	shalt  }
0x65: {  	_ =	shalt  }
0x66: {  	_ =	shalt  }
0x67: {  	_ =	shalt  }
0x68: {  	_ =	shalt  }
0x69: {  	_ =	shalt  }
0x6a: {  	_ =	shalt  }
0x6b: {  	_ =	shalt  }
0x6c: {  	_ =	shalt  }
0x6d: {  	_ =	shalt  }
0x6e: {  	_ =	shalt  }
0x6f: {  	_ =	shalt  }
0x70: {  	_ =	shalt  }
0x71: {  	_ =	shalt  }
0x72: {  	_ =	shalt  }
0x73: {  	_ =	shalt  }
0x74: {  	_ =	shalt  }
0x75: {  	_ =	shalt  }
0x76: {  	_ =	shalt  }
0x77: {  	_ =	shalt  }
0x78: {  	_ =	shalt  }
0x79: {  	_ =	shalt  }
0x7a: {  	_ =	shalt  }
0x7b: {  	_ =	shalt  }
0x7c: {  	_ =	shalt  }
0x7d: {  	_ =	shalt  }
0x7e: {  	_ =	shalt  }
0x7f: {  	_ =	shalt  }
0x80: {  	_ =	shalt  }
0x81: {  	_ =	shalt  }
0x82: {  	_ =	shalt  }
0x83: {  	_ =	shalt  }
0x84: {  	_ =	shalt  }
0x85: {  	_ =	shalt  }
0x86: {  	_ =	shalt  }
0x87: {  	_ =	shalt  }
.Lfunc_end0:
.L_simem_size_0:
called_computation_lowered:
.L_overlay_start_0:
0x88: {  	s2 =	sld [smem:$0x3FD9]  }
0x89: {  	s3 =	sld [smem:$0x3FFE];
	_ =	sdelay $0x1  }
0x8a: {  	s1 =	srdreg.scid  }
0x8b: {  	s0 =	sand.u32 $0x1, s1  }
0x8c: {  	s17 =	sshll.u32 s0, $0xA;
	s2 =	sadd.s32 s3, s2  }
0x8d: {  	s2 =	sadd.s32 s2, s17  }
0x8e: {  	[smem:$0x3FC4] =	sst s2  }
0x8f: {  	_ = 	snop  }
0x90: {  	s2 =	sld [smem:$0x3FC9]  }
0x91: {  	s18 =	sld [smem:$0x3FC8]  }
0x92: {  	s4 =	sld [smem:$0x3FC7]  }
0x93: {  	s5 =	sld [smem:$0x3FC6]  }
0x94: {  	s6 =	sld [smem:$0x3FD0];
	(tm) =	ssettm $0x1  }
0x95: {  	s7 =	sld [smem:$0x3FFB];
	_ =	sdelay $0x3  }
0x96: {  	_ =	strace s7  }
0x97: {  	s7 =	sld [smem:$0x3FFC];
	_ =	sdelay $0x3  }
0x98: {  	_ =	strace s7  }
0x99: {  	s7 =	sld [smem:$0x3FFD];
	_ =	sdelay $0x3  }
0x9a: {  	_ =	strace s7  }
0x9b: {  	_ =	strace $0x8FFFFFFF  }
0x9c: {  	s19 =	sld [smem:$0x3FDB];
	_ =	sdelay $0x1  }
0x9d: {  	s8 =	simm.s32 $_scs_section_size  }
0x9e: {  	s9 =	simm.s32 $_size__tile_overlayer_lowered;
	s10 =	simm.s32 $_tile_overlayer_lowered  }
0x9f: {  	s22 =	simm.s32 $0x1BFF;
	s21 =	sshll.u32 s10, $0x1;
	s7 =	sadd.s32 s8, s19  }
0xa0: {  	s11 =	simm.s32 $0x0;
	s20 =	sshll.u32 s9, $0x1;
	s9 =	sadd.s32 s21, s7  }
0xa1: {  	[timem:s11], [sflag:s22] =	dma.local [hbm:s9], s20  }
0xa2: {  	_ =	swait.ge [sflag:s22], s20  }
0xa3: {  	s8 =	ssub.s32 $0x0, s20;
	[sflag:s22] =	ssyncset.done $0x0  }
0xa4: {  	[sflag:s22] =	ssyncadd.s32 s8;
	_ =	sdelay $0x1  }
0xa5: {  	s23 =	simm.s32 $0x1B8B  }
0xa6: {  	_ =	swait.ge [sflag:s23], $0x1  }
0xa7: {  	[sflag:s23] =	ssyncset.done $0x0  }
0xa8: {  	s25 =	simm.s32 $0x1B8E;
	s24 =	sld [smem:$0x3FFE];
	[sflag:s23] =	ssyncadd.s32 $0xFFFFFFFF  }
0xa9: {  	s26 =	simm.s32 $execute0_lowered;
	[smem:$0x3FD2] =	sst s25  }
0xaa: {  	s9 =	sshll.u32 s26, $0x1;
	_ =	strace $0x80000046;
	[dreg:$0x1] =	wrdreg $0xFFFFFFFF  }
0xab: {  	s28 =	simm.s32 $_size_execute0_lowered;
	s7 =	sadd.s32 s7, s9;
	[dreg:$0x0] =	wrdreg $0x0  }
0xac: {  	s9 =	sshll.u32 s28, $0x1;
	[dreg:$0x2] =	wrdreg s7  }
0xad: {  	[dreg:$0x3] =	wrdreg s9  }
0xae: {  	[dreg:$0x4] =	wrdreg $0xC0  }
0xaf: {  	_ =	task [dreg:s11], $0x5FFFF  }
0xb0: {  	[dreg:$0x1] =	wrdreg $0xFFFFFFFF  }
0xb1: {  	[dreg:$0x0] =	wrdreg $0x60  }
0xb2: {  	[dreg:$0x2] =	wrdreg s2  }
0xb3: {  	[dreg:$0x3] =	wrdreg s18  }
0xb4: {  	[dreg:$0x4] =	wrdreg s4  }
0xb5: {  	[dreg:$0x5] =	wrdreg s5  }
0xb6: {  	[dreg:$0x6] =	wrdreg s6  }
0xb7: {  	[dreg:$0x7] =	wrdreg s24  }
0xb8: {  	[dreg:$0x8] =	wrdreg $0x14800  }
0xb9: {  	[dreg:$0x9] =	wrdreg $0x108A80  }
0xba: {  	[dreg:$0xa] =	wrdreg $0x9  }
0xbb: {  	_ =	task.clear_ibuf [dreg:s11], $0xBFFFF;
	_ =	strace $0x90000046  }
0xbc: {  	s29 =	simm.s32 $0x9;
	_ =	strace $0x80000048  }
0xbd: {  	_ =	swait.ge [sflag:s29], $0x1  }
0xbe: {  	[sflag:s29] =	ssyncadd.s32 $0xFFFFFFFF  }
0xbf: {  	_ =	strace $0x90000048  }
0xc0: {  	_ =	sfence  }
0xc1: {  	s30 =	sld [smem:$0x0];
	_ =	sdelay $0x2  }
0xc2: {  	s31 =	sshll.u32 s1, $0xD;
	s1 =	sshrl.u32 s1, $0x2  }
0xc3: {  	s3 =	sand.u32 $0x4000, s31;
	s1 =	sadd.s32 s1, s30  }
0xc4: {  	s0 =	sor.u32 s3, s0;
	s1 =	sshll.u32 s1, $0x11  }
0xc5: {  	s0 =	sor.u32 s1, s0  }
0xc6: {  	s0 =	sadd.s32 $0x8F2B, s0  }
0xc7: {  	[sflag:s0] =	ssyncadd.remote.s32 $0x1  }
0xc8: {  	_ =	sfence.sel $0xFFFF  }
0xc9: {  	[dreg:$0x0] =	wrdreg $0xFFFFFFFF;
	(pc) =	sbr.abs _section_cstart, $3  }
0xca: {  	[dreg:$0x1] =	wrdreg $0xFFFFFFFF  }
0xcb: {  	_ =	task.clear_ibuf [dreg:s11], $0x2FFFF;
	_ =	strace $0x9FFFFFFF  }
0xcc: {  	(tm) =	ssettm $0x7FFFFFFF  }
0xcd: {  	_ =	shalt  }
tec
execute0_lowered:
.L_overlay_start_1:
0x0: {  	(tag) =	ssettag $0x1  }
0x1: {  	s8 =	rddreg [dreg:$0x0]  }
0x2: {  	s7 =	rddreg [dreg:$0x1]  }
0x3: {  	s0 =	rddreg [dreg:$0x2]  }
0x4: {  	s1 =	rddreg [dreg:$0x3]  }
0x5: {  	s9 =	rddreg [dreg:$0x5]  }
0x6: {  	s3 =	rddreg [dreg:$0x6]  }
0x7: {  	s4 =	rddreg [dreg:$0x7]  }
0x8: {  	[dreg:$0x9] =	wrdreg s1  }
0x9: {  	s5 =	simm.s32 $0x0;
	s1 =	rddreg [dreg:$0x4]  }
0xa: {  	[smem:$0x7FF] =	sst s5;
	s11 =	sadd.s32 $0xF4200, s4  }
0xb: {  	s22 =	simm.s32 $0x800;
	_ =	strace $0x80000047;
	[dreg:$0xa] =	wrdreg s11  }
0xc: {  	s23 =	simm.s32 $0xC00;
	[dreg:$0xd] =	wrdreg s22  }
0xd: {  	s24 =	simm.s32 $0x1010;
	[dreg:$0xe] =	wrdreg s23  }
0xe: {  	s25 =	simm.s32 $0x1020;
	[dreg:$0xf] =	wrdreg s24  }
0xf: {  	s26 =	simm.s32 $0x1030;
	[dreg:$0x10] =	wrdreg s25  }
0x10: {  	s28 =	simm.s32 $0x1040;
	[dreg:$0x11] =	wrdreg s26  }
0x11: {  	s29 =	simm.s32 $0x1050;
	[dreg:$0x12] =	wrdreg s28  }
0x12: {  	s30 =	simm.s32 $0x1060;
	[dreg:$0x13] =	wrdreg s29  }
0x13: {  	s31 =	simm.s32 $0x1070;
	[dreg:$0x14] =	wrdreg s30  }
0x14: {  	s13 =	simm.s32 $0x10A0;
	[dreg:$0x15] =	wrdreg s31  }
0x15: {  	s14 =	simm.s32 $0x10B0;
	[dreg:$0x18] =	wrdreg s13  }
0x16: {  	s15 =	simm.s32 $0x10C0;
	[dreg:$0x19] =	wrdreg s14  }
0x17: {  	s16 =	simm.s32 $0x10D0;
	[dreg:$0x1a] =	wrdreg s15  }
0x18: {  	s17 =	simm.s32 $0x10E0;
	[dreg:$0x1b] =	wrdreg s16  }
0x19: {  	s18 =	simm.s32 $0x10F0;
	[dreg:$0x1c] =	wrdreg s17  }
0x1a: {  	s2 =	stileid.u32;
	s19 =	simm.s32 $0x1100;
	[dreg:$0x1d] =	wrdreg s18  }
0x1b: {  	s20 =	simm.s32 $0x1110;
	s21 =	simm.s32 $0x1120;
	[dreg:$0x1e] =	wrdreg s19  }
0x1c: {  	s10 =	sadd.s32 $0xF0000, s4;
	p0 =	seq.s32 s2, $0xF;
	[dreg:$0x1f] =	wrdreg s20  }
0x1d: {  	s10 =	sshrl.u32 @p0 s10, $0x3;
	[smem:$0x7C7] =	sst s21  }
0x1e: {  	s11 =	simm.s32 $0x1080;
	[dreg:$0xc] =	wrdreg s10  }
0x1f: {  	s22 =	simm.s32 $0x1130;
	[dreg:$0x16] =	wrdreg s11  }
0x20: {  	s23 =	simm.s32 $0x1140;
	[smem:$0x7C8] =	sst s22  }
0x21: {  	s24 =	simm.s32 $0x1150;
	[smem:$0x7C9] =	sst s23  }
0x22: {  	s25 =	simm.s32 $0x1160;
	[smem:$0x7CA] =	sst s24  }
0x23: {  	s26 =	simm.s32 $0x1170;
	[smem:$0x7CB] =	sst s25  }
0x24: {  	s28 =	simm.s32 $0x1180;
	[smem:$0x7CC] =	sst s26  }
0x25: {  	s29 =	simm.s32 $0x1190;
	[smem:$0x7CD] =	sst s28  }
0x26: {  	s30 =	simm.s32 $0x11A0;
	[smem:$0x7CE] =	sst s29  }
0x27: {  	s31 =	simm.s32 $0x11B0;
	[smem:$0x7CF] =	sst s30  }
0x28: {  	s13 =	simm.s32 $0x11E0;
	[smem:$0x7D0] =	sst s31  }
0x29: {  	s14 =	simm.s32 $0x11F0;
	[smem:$0x7D3] =	sst s13  }
0x2a: {  	s15 =	simm.s32 $0x1200;
	[smem:$0x7D4] =	sst s14  }
0x2b: {  	s16 =	simm.s32 $0x1210;
	[smem:$0x7D5] =	sst s15  }
0x2c: {  	s18 =	simm.s32 $0x1220;
	[smem:$0x7D6] =	sst s16  }
0x2d: {  	s19 =	simm.s32 $0x1230;
	[smem:$0x7D7] =	sst s18  }
0x2e: {  	s6 =	sshll.u32 s2, $0x10;
	s20 =	simm.s32 $0x1240;
	[smem:$0x7D8] =	sst s19  }
0x2f: {  	s12 =	sadd.s32 s6, s4;
	s21 =	simm.s32 $0x1250;
	[smem:$0x7D9] =	sst s20  }
0x30: {  	s10 =	sshrl.u32 @!p0 s12, $0x3;
	[smem:$0x7DA] =	sst s21  }
0x31: {  	s12 =	simm.s32 $0x1090;
	[dreg:$0xb] =	wrdreg s10  }
0x32: {  	s11 =	simm.s32 $0x11C0;
	[dreg:$0x17] =	wrdreg s12  }
0x33: {  	s22 =	simm.s32 $0x1260;
	[smem:$0x7D1] =	sst s11  }
0x34: {  	s23 =	simm.s32 $0x1270;
	[smem:$0x7DB] =	sst s22  }
0x35: {  	s25 =	simm.s32 $0x1280;
	[smem:$0x7DC] =	sst s23  }
0x36: {  	s28 =	simm.s32 $0x1290;
	[smem:$0x7DD] =	sst s25  }
0x37: {  	s29 =	simm.s32 $0x12A0;
	[smem:$0x7DE] =	sst s28  }
0x38: {  	s30 =	simm.s32 $0x12B0;
	[smem:$0x7DF] =	sst s29  }
0x39: {  	s18 =	simm.s32 $0x12D0;
	[smem:$0x7E0] =	sst s30  }
0x3a: {  	s19 =	simm.s32 $0x12E0;
	[smem:$0x7E4] =	sst s18  }
0x3b: {  	s21 =	simm.s32 $0x12F0;
	[smem:$0x7E6] =	sst s19  }
0x3c: {  	s31 =	sshll.u32 s2, $0x7;
	s12 =	simm.s32 $0x11D0;
	[smem:$0x7E7] =	sst s21  }
0x3d: {  	s17 =	srdreg.scid;
	s8 =	sadd.s32 s8, s31;
	[smem:$0x7D2] =	sst s12  }
0x3e: {  	s13 =	sand.u32 $0x1, s17;
	s7 =	sadd.s32 s7, s31;
	[smem:$0x7E1] =	sst s8  }
0x3f: {  	s20 =	sshll.u32 s13, $0x5;
	[smem:$0x7E3] =	sst s7  }
0x40: {  	s23 =	simm.s32 $0x1300;
	[smem:$0x7E5] =	sst s20  }
0x41: {  	s25 =	simm.s32 $0x1320;
	[smem:$0x7E8] =	sst s23  }
0x42: {  	s29 =	simm.s32 $0x1340;
	[smem:$0x7EB] =	sst s25  }
0x43: {  	s30 =	simm.s32 $0x1350;
	[smem:$0x7ED] =	sst s29  }
0x44: {  	p1 =	sne.s32 s2, $0xF;
	s19 =	simm.s32 $0x1370;
	[smem:$0x7EE] =	sst s30  }
0x45: {  	s14 =	sshll.u32 s13, $0x8;
	s21 =	simm.s32 $0x1380;
	[smem:$0x7F2] =	sst s19  }
0x46: {  	s11 =	sshll.u32 s13, $0x4;
	s12 =	simm.s32 $0x12C0;
	[smem:$0x7F5] =	sst s21  }
0x47: {  	s24 =	ssub.s32 $0x2, s13;
	s28 =	sadd.s32 s1, s14;
	[smem:$0x7E2] =	sst s12  }
0x48: {  	s22 =	smul.u32 $0x3D0A00, s13;
	s25 =	simm.s32 $0x13B0;
	[smem:$0x7F3] =	sst s28  }
0x49: {  	s10 =	sadd.s32 s6, s3;
	s29 =	simm.s32 $0x13E0;
	[smem:$0x7F8] =	sst s25  }
0x4a: {  	s15 =	sadd.s32 s14, s9;
	s30 =	simm.s32 $0x13F0;
	[smem:$0x7FB] =	sst s29  }
0x4b: {  	s26 =	sshrl.u32 s24, $0x1;
	s8 =	sadd.s32 s0, s22;
	[smem:$0x7FC] =	sst s30  }
0x4c: {  	s17 =	ssub.s32 s24, s26;
	s24 =	simm.s32 $0x1310;
	[smem:$0x7E9] =	sst s8  }
0x4d: {  	s16 =	sadd.s32 s11, s9;
	s26 =	simm.s32 $0x1330;
	[smem:$0x7EA] =	sst s24  }
0x4e: {  	s31 =	sadd.s32 $0x600, s16;
	s16 =	simm.s32 $0x1360;
	[smem:$0x7EC] =	sst s26  }
0x4f: {  	s9 =	sshll.u32 s2, $0x8;
	s20 =	sadd.s32 $0x400, s15;
	[smem:$0x7F0] =	sst s16  }
0x50: {  	s14 =	sadd.s32 $0xF4200, s3;
	s22 =	simm.s32 $0x1390;
	[smem:$0x7F1] =	sst s20  }
0x51: {  	s23 =	sshll.u32 s13, $0xC;
	s18 =	smax.u32 s17, $0x1;
	[smem:$0x7F6] =	sst s22  }
0x52: {  	s21 =	simm.s32 $0x3;
	s8 =	sadd.s32 $0x8, s28;
	[smem:$0x7EF] =	sst s18  }
0x53: {  	s7 =	simm.s32 $0x0;
	s24 =	simm.s32 $0x13A0;
	[smem:$0x7F4] =	sst s8  }
0x54: {  	s12 =	sadd.s32 $0xF0000, s3;
	s26 =	simm.s32 $0x13C0;
	[smem:$0x7F7] =	sst s24  }
0x55: {  	s20 =	simm.s32 $0x400;
	s28 =	simm.s32 $0x13D0;
	[smem:$0x7F9] =	sst s26  }
0x56: {  	s22 =	simm.s32 $0x1000;
	s31 =	sadd.s32 s9, s31;
	[smem:$0x7FA] =	sst s28  }
0x57: {  	v0 =	vimm.f32 $0.0e+00;
	s18 =	sor.u32 $0x80, s23;
	s8 =	simm.s32 $0x4;
	[smem:$0x7FD] =	sst s31  }
.LBB2_1:
0x58: {  	s1 =	sld [smem:$0x7E1];
	_ =	sdelay $0x1  }
0x59: {  	[smem:$0x7C6] =	sst s7  }
0x5a: {  	[tilespmem:s5], [sflag:$0x4] =	stream.linear.gather [hbm4b:s1+s5], $0x400, $0x38;
	[tilespmem:$0x1FCD0] =	vst v63  }
0x5b: {  	_ =	swait.ge [sflag:s8], $0x400  }
0x5c: {  	s26 =	sld [smem:$0x7E3]  }
0x5d: {  	[sflag:s8] =	ssyncset.done $0x0  }
0x5e: {  	[sflag:s8] =	ssyncadd.s32 $0xFFFFFC00  }
0x5f: {  	[tilespmem:s20], [sflag:$0x4] =	stream.linear.gather [hbm4b:s26+s5], $0x400, $0x38;
	[tilespmem:$0x1FCD0] =	vst v63  }
0x60: {  	_ =	swait.ge [sflag:s8], $0x400  }
0x61: {  	[sflag:s8] =	ssyncset.done $0x0  }
0x62: {  	[sflag:s8] =	ssyncadd.s32 $0xFFFFFC00  }
0x63: {  	[tilespmem:$0x1000] =	vst v0  }
0x64: {  	[tilespmem:$0x1010] =	vst v0  }
0x65: {  	[tilespmem:$0x1020] =	vst v0  }
0x66: {  	[tilespmem:$0x1030] =	vst v0  }
0x67: {  	[tilespmem:$0x1040] =	vst v0  }
0x68: {  	[tilespmem:$0x1050] =	vst v0  }
0x69: {  	[tilespmem:$0x1060] =	vst v0  }
0x6a: {  	[tilespmem:$0x1070] =	vst v0  }
0x6b: {  	[tilespmem:$0x1080] =	vst v0  }
0x6c: {  	[tilespmem:$0x1090] =	vst v0  }
0x6d: {  	[tilespmem:$0x10A0] =	vst v0  }
0x6e: {  	[tilespmem:$0x10B0] =	vst v0  }
0x6f: {  	[tilespmem:$0x10C0] =	vst v0  }
0x70: {  	[tilespmem:$0x10D0] =	vst v0  }
0x71: {  	[tilespmem:$0x10E0] =	vst v0  }
0x72: {  	[tilespmem:$0x10F0] =	vst v0  }
0x73: {  	[tilespmem:$0x1100] =	vst v0  }
0x74: {  	[tilespmem:$0x1110] =	vst v0  }
0x75: {  	[tilespmem:$0x1120] =	vst v0  }
0x76: {  	[tilespmem:$0x1130] =	vst v0  }
0x77: {  	[tilespmem:$0x1140] =	vst v0  }
0x78: {  	[tilespmem:$0x1150] =	vst v0  }
0x79: {  	[tilespmem:$0x1160] =	vst v0  }
0x7a: {  	[tilespmem:$0x1170] =	vst v0  }
0x7b: {  	[tilespmem:$0x1180] =	vst v0  }
0x7c: {  	[tilespmem:$0x1190] =	vst v0  }
0x7d: {  	[tilespmem:$0x11A0] =	vst v0  }
0x7e: {  	[tilespmem:$0x11B0] =	vst v0  }
0x7f: {  	[tilespmem:$0x11C0] =	vst v0  }
0x80: {  	[tilespmem:$0x11D0] =	vst v0  }
0x81: {  	[tilespmem:$0x11E0] =	vst v0  }
0x82: {  	[tilespmem:$0x11F0] =	vst v0  }
0x83: {  	[tilespmem:$0x1200] =	vst v0  }
0x84: {  	[tilespmem:$0x1210] =	vst v0  }
0x85: {  	[tilespmem:$0x1220] =	vst v0  }
0x86: {  	[tilespmem:$0x1230] =	vst v0  }
0x87: {  	[tilespmem:$0x1240] =	vst v0  }
0x88: {  	[tilespmem:$0x1250] =	vst v0  }
0x89: {  	[tilespmem:$0x1260] =	vst v0  }
0x8a: {  	[tilespmem:$0x1270] =	vst v0  }
0x8b: {  	[tilespmem:$0x1280] =	vst v0  }
0x8c: {  	[tilespmem:$0x1290] =	vst v0  }
0x8d: {  	[tilespmem:$0x12A0] =	vst v0  }
0x8e: {  	[tilespmem:$0x12B0] =	vst v0  }
0x8f: {  	[tilespmem:$0x12C0] =	vst v0  }
0x90: {  	[tilespmem:$0x12D0] =	vst v0  }
0x91: {  	[tilespmem:$0x12E0] =	vst v0  }
0x92: {  	[tilespmem:$0x12F0] =	vst v0  }
0x93: {  	[tilespmem:$0x1300] =	vst v0  }
0x94: {  	[tilespmem:$0x1310] =	vst v0  }
0x95: {  	[tilespmem:$0x1320] =	vst v0  }
0x96: {  	[tilespmem:$0x1330] =	vst v0  }
0x97: {  	[tilespmem:$0x1340] =	vst v0  }
0x98: {  	[tilespmem:$0x1350] =	vst v0  }
0x99: {  	[tilespmem:$0x1360] =	vst v0  }
0x9a: {  	[tilespmem:$0x1370] =	vst v0  }
0x9b: {  	[tilespmem:$0x1380] =	vst v0  }
0x9c: {  	[tilespmem:$0x1390] =	vst v0  }
0x9d: {  	[tilespmem:$0x13A0] =	vst v0  }
0x9e: {  	[tilespmem:$0x13B0] =	vst v0  }
0x9f: {  	s9 =	sld [smem:$0x7E9];
	[tilespmem:$0x13C0] =	vst v0  }
0xa0: {  	[tilespmem:$0x13D0] =	vst v0  }
0xa1: {  	s7 =	sshrl.u32 @p0 s12, $0x3;
	s28 =	simm.s32 @p0 $0x1;
	s29 =	simm.s32 @p0 $0x10;
	[tilespmem:$0x13E0] =	vst v0  }
0xa2: {  	s30 =	simm.s32 @p0 $0x80;
	s8 =	simm.s32 @p0 $0x1FC1;
	[tilespmem:$0x13F0] =	vst v0;
	s1 =	sadd.s32 @p0 $0xF0000, s9  }
0xa3: {  	[spmem:s7@s29], [sflag:s8] =	dma.strided @p0 [hbm:s1@s30], $0x840, s28, $0x10   }
0xa4: {  	s7 =	sld [smem:$0x7F3];
	_ =	sdelay $0x1  }
0xa5: {  	s31 =	simm.s32 @p0 $0x0;
	s24 =	simm.s32 @p0 $0x4;
	s1 =	simm.s32 @p0 $0x1400  }
0xa6: {  	[tilespmem:s1], [sflag:$0x4] =	stream.linear.gather @p0 [hbm4b:s7+s31], $0x40, $0x38;
	[tilespmem:$0x1FCD0] =	vst v63  }
0xa7: {  	_ =	swait.ge @p0 [sflag:s24], $0x40  }
0xa8: {  	[sflag:s24] =	ssyncset.done @p0 $0x0  }
0xa9: {  	s25 =	sshll.u32 @!p0 s2, $0x6;
	[sflag:s24] =	ssyncadd.s32 @p0 $0xFFFFFFC0  }
0xaa: {  	[spmem:s14] =	stream.linear.scatter @p0 [tilespmem:s1], [sflag:$0x4], $0x40, $0x38;
	[tilespmem:$0x1FCD0] =	vst v63  }
0xab: {  	s16 =	sshrl.u32 @!p0 s10, $0x3;
	s15 =	sor.u32 @!p0 $0x1C01, s25;
	_ =	swait.ge @p0 [sflag:s24], $0x40  }
0xac: {  	s13 =	sadd.s32 @!p0 s6, s9;
	s9 =	simm.s32 @!p0 $0x80;
	[sflag:s24] =	ssyncset.done @p0 $0x0  }
0xad: {  	s8 =	simm.s32 @!p0 $0x10;
	s7 =	simm.s32 @!p0 $0x1;
	[sflag:s24] =	ssyncadd.s32 @p0 $0xFFFFFFC0  }
0xae: {  	[spmem:s16@s8], [sflag:s15] =	dma.strided @!p0 [hbm:s13@s9], $0x2000, s7, $0x10   }
0xaf: {  	s13 =	sld [smem:$0x7E5]  }
0xb0: {  	s17 =	sld [smem:$0x7F4]  }
0xb1: {  	s15 =	simm.s32 $0x0;
	s16 =	sld [smem:$0x7F1]  }
.LBB2_2:
0xb2: {  	s23 =	sshrl.u32 s13, $0x3  }
0xb3: {  	s23 =	smul.u32 $0x7A1400, s23  }
0xb4: {  	s11 =	sand.u32 $0x380, s15  }
0xb5: {  	s11 =	sor.u32 s11, s23  }
0xb6: {  	s19 =	rddreg [dreg:$0x9];
	s11 =	sshrl.u32 s11, $0x3  }
0xb7: {  	s11 =	sadd.s32 s19, s11  }
0xb8: {  	s26 =	simm.s32 @p0 $0x1FC2;
	s23 =	rddreg [dreg:$0xc];
	s19 =	sadd.s32 @p0 $0xF0000, s11  }
0xb9: {  	[spmem:s23@s29], [sflag:s26] =	dma.strided @p0 [hbm:s19@s30], $0x840, s28, $0x10   }
0xba: {  	[tilespmem:s1], [sflag:$0x4] =	stream.linear.gather @p0 [hbm4b:s16+s31], $0x40, $0x38;
	[tilespmem:$0x1FCD0] =	vst v63  }
0xbb: {  	_ =	swait.ge @p0 [sflag:s24], $0x40  }
0xbc: {  	[sflag:s24] =	ssyncset.done @p0 $0x0  }
0xbd: {  	s19 =	rddreg [dreg:$0xa];
	[sflag:s24] =	ssyncadd.s32 @p0 $0xFFFFFFC0  }
0xbe: {  	[spmem:s19] =	stream.linear.scatter @p0 [tilespmem:s1], [sflag:$0x4], $0x40, $0x38;
	[tilespmem:$0x1FCD0] =	vst v63  }
0xbf: {  	_ =	swait.ge @p0 [sflag:s24], $0x40  }
0xc0: {  	[sflag:s24] =	ssyncset.done @p0 $0x0  }
0xc1: {  	[sflag:s24] =	ssyncadd.s32 @p0 $0xFFFFFFC0  }
0xc2: {  	_ =	swait.ge @p0 [sflag:s28], $0x840  }
0xc3: {  	s11 =	sadd.s32 @!p0 s6, s11;
	[sflag:s28] =	ssyncset.done @p0 $0x0  }
0xc4: {  	s23 =	sor.u32 @!p0 $0x1C02, s25;
	s19 =	rddreg [dreg:$0xb];
	[sflag:s28] =	ssyncadd.s32 @p0 $0xFFFFF7C0  }
0xc5: {  	[spmem:s19@s8], [sflag:s23] =	dma.strided @!p0 [hbm:s11@s9], $0x2000, s7, $0x10   }
0xc6: {  	p2 =	seq.s32 @p1 s15, $0xF80;
	_ =	swait.ge @!p0 [sflag:s7], $0x2000  }
0xc7: {  	p2 =	por p2, !p1;
	[sflag:s7] =	ssyncset.done @!p0 $0x0  }
0xc8: {  	s11 =	sadd.s32 @!p2 $0x1, s13;
	[sflag:s7] =	ssyncadd.s32 @!p0 $0xFFFFE000  }
0xc9: {  	s11 =	sshrl.u32 @!p2 s11, $0x3;
	[bflag:$0x0] =	sbarrier.arrive $0xFFFF  }
0xca: {  	s23 =	sadd.s32 @!p2 s15, s18;
	s11 =	smul.u32 @!p2 $0x7A1400, s11;
	s26 =	rddreg [dreg:$0xd]  }
0xcb: {  	[tilespmem:s26], [sflag:$0x3] =	stream.indirect.gather [spmem:s3], $0x1, s5, s20, $0xb8;
	[tilespmem:$0x1FCD0] =	vst v63  }
0xcc: {  	s23 =	sand.u32 @!p2 $0x380, s23;
	_ =	swait.ge [sflag:s21], $0x400  }
0xcd: {  	s19 =	simm.s32 @p1 $0x2;
	s11 =	sor.u32 @!p2 s23, s11;
	[sflag:s21] =	ssyncset.done $0x0  }
0xce: {  	s23 =	sshrl.u32 @!p2 s10, $0x3;
	s11 =	sshrl.u32 @!p2 s11, $0x3;
	[sflag:s21] =	ssyncadd.s32 $0xFFFFFC00  }
0xcf: {  	s11 =	sadd.s32 @!p2 s0, s11;
	s26 =	simm.s32 @!p2 $0x1;
	_ =	swait.ge @p1 [sflag:s19], $0x2000  }
0xd0: {  	s5 =	smov.u32 s4;
	s4 =	simm.s32 @!p2 $0x80;
	[sflag:s19] =	ssyncset.done @p1 $0x0  }
0xd1: {  	s11 =	sadd.s32 @!p2 s6, s11;
	[sflag:s19] =	ssyncadd.s32 @p1 $0xFFFFE000;
	s19 =	sshll.u32 @!p2 s2, $0x6  }
0xd2: {  	s2 =	simm.s32 @!p2 $0x10;
	[bflag:$0x0] =	sbarrier.arrive @p1 $0xFFFF;
	s19 =	sor.u32 @!p2 $0x1C01, s19  }
0xd3: {  	[spmem:s23@s2], [sflag:s19] =	dma.strided @!p2 [hbm:s11@s4], $0x2000, s26, $0x10   }
0xd4: {  	p2 =	seq.s32 @!p1 s15, $0xF80  }
0xd5: {  	p2 =	por p2, p1  }
0xd6: {  	s2 =	sadd.s32 @!p2 $0x1, s13  }
0xd7: {  	s2 =	sshrl.u32 @!p2 s2, $0x3  }
0xd8: {  	s4 =	simm.s32 @!p1 $0x2;
	s11 =	sadd.s32 @!p2 s15, s18;
	s2 =	smul.u32 @!p2 $0x7A1400, s2  }
0xd9: {  	_ =	swait.ge @!p1 [sflag:s4], $0x840;
	s11 =	sand.u32 @!p2 $0x380, s11  }
0xda: {  	[sflag:s4] =	ssyncset.done @!p1 $0x0;
	s19 =	simm.s32 @!p2 $0x10;
	s2 =	sor.u32 @!p2 s11, s2  }
0xdb: {  	s23 =	simm.s32 @!p2 $0x80;
	s26 =	simm.s32 @!p2 $0x1FC1;
	s2 =	sshrl.u32 @!p2 s2, $0x3  }
0xdc: {  	[sflag:s4] =	ssyncadd.s32 @!p1 $0xFFFFF7C0;
	s4 =	sshrl.u32 @!p2 s12, $0x3;
	s2 =	sadd.s32 @!p2 s0, s2  }
0xdd: {  	[bflag:$0x0] =	sbarrier.arrive @!p1 $0xFFFF;
	s11 =	simm.s32 @!p2 $0x1;
	s2 =	sadd.s32 @!p2 $0xF0000, s2  }
0xde: {  	[spmem:s4@s19], [sflag:s26] =	dma.strided @!p2 [hbm:s2@s23], $0x840, s11, $0x10   }
0xdf: {  	s2 =	simm.s32 @!p2 $0x0;
	s4 =	simm.s32 @!p2 $0x1400  }
0xe0: {  	[tilespmem:s4], [sflag:$0x4] =	stream.linear.gather @!p2 [hbm4b:s17+s2], $0x40, $0x38;
	[tilespmem:$0x1FCD0] =	vst v63  }
0xe1: {  	s2 =	simm.s32 @!p2 $0x4  }
0xe2: {  	_ =	swait.ge @!p2 [sflag:s2], $0x40  }
0xe3: {  	[sflag:s2] =	ssyncset.done @!p2 $0x0  }
0xe4: {  	[sflag:s2] =	ssyncadd.s32 @!p2 $0xFFFFFFC0  }
0xe5: {  	[spmem:s14] =	stream.linear.scatter @!p2 [tilespmem:s4], [sflag:$0x4], $0x40, $0x38;
	[tilespmem:$0x1FCD0] =	vst v63  }
0xe6: {  	_ =	swait.ge @!p2 [sflag:s2], $0x40  }
0xe7: {  	[sflag:s2] =	ssyncset.done @!p2 $0x0  }
0xe8: {  	s11 =	rddreg [dreg:$0xe];
	[sflag:s2] =	ssyncadd.s32 @!p2 $0xFFFFFFC0  }
0xe9: {  	[tilespmem:s11], [sflag:$0x3] =	stream.indirect.gather [spmem:s5], $0x1, s20, s20, $0xb8;
	[tilespmem:$0x1FCD0] =	vst v63  }
0xea: {  	_ =	swait.ge [sflag:s21], $0x400  }
0xeb: {  	[sflag:s21] =	ssyncset.done $0x0  }
0xec: {  	[sflag:s21] =	ssyncadd.s32 $0xFFFFFC00  }
0xed: {  	[bflag:$0x0] =	sbarrier.arrive $0xFFFF  }
0xee: {  	v1 =	vld [tilespmem:$0x800]  }
0xef: {  	v2 =	vld [tilespmem:$0xC00];
	_ =	sdelay $0x4  }
0xf0: {  	v1 =	vmul.f32 v2, v1;
	_ =	sdelay $0x1  }
0xf1: {  	[tilespmem:s22+$0x0] =	vst.add.f32.msk $0xffff, v1  }
0xf2: {  	v1 =	vld [tilespmem:$0x810]  }
0xf3: {  	v2 =	vld [tilespmem:$0xC10];
	_ =	sdelay $0x4  }
0xf4: {  	v1 =	vmul.f32 v2, v1  }
0xf5: {  	s19 =	rddreg [dreg:$0xf]  }
0xf6: {  	[tilespmem:s19+$0x0] =	vst.add.f32.msk $0xffff, v1  }
0xf7: {  	v1 =	vld [tilespmem:$0x820]  }
0xf8: {  	v2 =	vld [tilespmem:$0xC20];
	_ =	sdelay $0x4  }
0xf9: {  	v1 =	vmul.f32 v2, v1  }
0xfa: {  	s23 =	rddreg [dreg:$0x10]  }
0xfb: {  	[tilespmem:s23+$0x0] =	vst.add.f32.msk $0xffff, v1  }
0xfc: {  	v1 =	vld [tilespmem:$0x830]  }
0xfd: {  	v2 =	vld [tilespmem:$0xC30];
	_ =	sdelay $0x4  }
0xfe: {  	v1 =	vmul.f32 v2, v1  }
0xff: {  	s26 =	rddreg [dreg:$0x11]  }
0x100: {  	[tilespmem:s26+$0x0] =	vst.add.f32.msk $0xffff, v1  }
0x101: {  	v1 =	vld [tilespmem:$0x840]  }
0x102: {  	v2 =	vld [tilespmem:$0xC40];
	_ =	sdelay $0x4  }
0x103: {  	v1 =	vmul.f32 v2, v1  }
0x104: {  	s11 =	rddreg [dreg:$0x12]  }
0x105: {  	[tilespmem:s11+$0x0] =	vst.add.f32.msk $0xffff, v1  }
0x106: {  	v1 =	vld [tilespmem:$0x850]  }
0x107: {  	v2 =	vld [tilespmem:$0xC50];
	_ =	sdelay $0x4  }
0x108: {  	v1 =	vmul.f32 v2, v1  }
0x109: {  	s19 =	rddreg [dreg:$0x13]  }
0x10a: {  	[tilespmem:s19+$0x0] =	vst.add.f32.msk $0xffff, v1  }
0x10b: {  	v1 =	vld [tilespmem:$0x860]  }
0x10c: {  	v2 =	vld [tilespmem:$0xC60];
	_ =	sdelay $0x4  }
0x10d: {  	v1 =	vmul.f32 v2, v1  }
0x10e: {  	s23 =	rddreg [dreg:$0x14]  }
0x10f: {  	[tilespmem:s23+$0x0] =	vst.add.f32.msk $0xffff, v1  }
0x110: {  	v1 =	vld [tilespmem:$0x870]  }
0x111: {  	v2 =	vld [tilespmem:$0xC70];
	_ =	sdelay $0x4  }
0x112: {  	v1 =	vmul.f32 v2, v1  }
0x113: {  	s26 =	rddreg [dreg:$0x15]  }
0x114: {  	[tilespmem:s26+$0x0] =	vst.add.f32.msk $0xffff, v1  }
0x115: {  	v1 =	vld [tilespmem:$0x880]  }
0x116: {  	v2 =	vld [tilespmem:$0xC80];
	_ =	sdelay $0x4  }
0x117: {  	v1 =	vmul.f32 v2, v1  }
0x118: {  	s11 =	rddreg [dreg:$0x16]  }
0x119: {  	[tilespmem:s11+$0x0] =	vst.add.f32.msk $0xffff, v1  }
0x11a: {  	v1 =	vld [tilespmem:$0x890]  }
0x11b: {  	v2 =	vld [tilespmem:$0xC90];
	_ =	sdelay $0x4  }
0x11c: {  	v1 =	vmul.f32 v2, v1  }
0x11d: {  	s19 =	rddreg [dreg:$0x17]  }
0x11e: {  	[tilespmem:s19+$0x0] =	vst.add.f32.msk $0xffff, v1  }
0x11f: {  	v1 =	vld [tilespmem:$0x8A0]  }
0x120: {  	v2 =	vld [tilespmem:$0xCA0];
	_ =	sdelay $0x4  }
0x121: {  	v1 =	vmul.f32 v2, v1  }
0x122: {  	s23 =	rddreg [dreg:$0x18]  }
0x123: {  	[tilespmem:s23+$0x0] =	vst.add.f32.msk $0xffff, v1  }
0x124: {  	v1 =	vld [tilespmem:$0x8B0]  }
0x125: {  	v2 =	vld [tilespmem:$0xCB0];
	_ =	sdelay $0x4  }
0x126: {  	v1 =	vmul.f32 v2, v1  }
0x127: {  	s26 =	rddreg [dreg:$0x19]  }
0x128: {  	[tilespmem:s26+$0x0] =	vst.add.f32.msk $0xffff, v1  }
0x129: {  	v1 =	vld [tilespmem:$0x8C0]  }
0x12a: {  	v2 =	vld [tilespmem:$0xCC0];
	_ =	sdelay $0x4  }
0x12b: {  	v1 =	vmul.f32 v2, v1  }
0x12c: {  	s11 =	rddreg [dreg:$0x1a]  }
0x12d: {  	[tilespmem:s11+$0x0] =	vst.add.f32.msk $0xffff, v1  }
0x12e: {  	v1 =	vld [tilespmem:$0x8D0]  }
0x12f: {  	v2 =	vld [tilespmem:$0xCD0];
	_ =	sdelay $0x4  }
0x130: {  	v1 =	vmul.f32 v2, v1  }
0x131: {  	s19 =	rddreg [dreg:$0x1b]  }
0x132: {  	[tilespmem:s19+$0x0] =	vst.add.f32.msk $0xffff, v1  }
0x133: {  	v1 =	vld [tilespmem:$0x8E0]  }
0x134: {  	v2 =	vld [tilespmem:$0xCE0];
	_ =	sdelay $0x4  }
0x135: {  	v1 =	vmul.f32 v2, v1  }
0x136: {  	s23 =	rddreg [dreg:$0x1c]  }
0x137: {  	[tilespmem:s23+$0x0] =	vst.add.f32.msk $0xffff, v1  }
0x138: {  	v1 =	vld [tilespmem:$0x8F0]  }
0x139: {  	v2 =	vld [tilespmem:$0xCF0];
	_ =	sdelay $0x4  }
0x13a: {  	v1 =	vmul.f32 v2, v1  }
0x13b: {  	s26 =	rddreg [dreg:$0x1d]  }
0x13c: {  	[tilespmem:s26+$0x0] =	vst.add.f32.msk $0xffff, v1  }
0x13d: {  	v1 =	vld [tilespmem:$0x900]  }
0x13e: {  	v2 =	vld [tilespmem:$0xD00];
	_ =	sdelay $0x4  }
0x13f: {  	v1 =	vmul.f32 v2, v1  }
0x140: {  	s11 =	rddreg [dreg:$0x1e]  }
0x141: {  	[tilespmem:s11+$0x0] =	vst.add.f32.msk $0xffff, v1  }
0x142: {  	v1 =	vld [tilespmem:$0x910]  }
0x143: {  	v2 =	vld [tilespmem:$0xD10];
	_ =	sdelay $0x4  }
0x144: {  	v1 =	vmul.f32 v2, v1  }
0x145: {  	s19 =	rddreg [dreg:$0x1f]  }
0x146: {  	[tilespmem:s19+$0x0] =	vst.add.f32.msk $0xffff, v1  }
0x147: {  	v1 =	vld [tilespmem:$0x920]  }
0x148: {  	v2 =	vld [tilespmem:$0xD20];
	_ =	sdelay $0x3  }
0x149: {  	s23 =	sld [smem:$0x7C7]  }
0x14a: {  	v1 =	vmul.f32 v2, v1;
	_ =	sdelay $0x1  }
0x14b: {  	[tilespmem:s23+$0x0] =	vst.add.f32.msk $0xffff, v1  }
0x14c: {  	v1 =	vld [tilespmem:$0x930]  }
0x14d: {  	v2 =	vld [tilespmem:$0xD30];
	_ =	sdelay $0x3  }
0x14e: {  	s26 =	sld [smem:$0x7C8]  }
0x14f: {  	v1 =	vmul.f32 v2, v1;
	_ =	sdelay $0x1  }
0x150: {  	[tilespmem:s26+$0x0] =	vst.add.f32.msk $0xffff, v1  }
0x151: {  	v1 =	vld [tilespmem:$0x940]  }
0x152: {  	v2 =	vld [tilespmem:$0xD40];
	_ =	sdelay $0x3  }
0x153: {  	s11 =	sld [smem:$0x7C9]  }
0x154: {  	v1 =	vmul.f32 v2, v1;
	_ =	sdelay $0x1  }
0x155: {  	[tilespmem:s11+$0x0] =	vst.add.f32.msk $0xffff, v1  }
0x156: {  	v1 =	vld [tilespmem:$0x950]  }
0x157: {  	v2 =	vld [tilespmem:$0xD50];
	_ =	sdelay $0x3  }
0x158: {  	s19 =	sld [smem:$0x7CA]  }
0x159: {  	v1 =	vmul.f32 v2, v1;
	_ =	sdelay $0x1  }
0x15a: {  	[tilespmem:s19+$0x0] =	vst.add.f32.msk $0xffff, v1  }
0x15b: {  	v1 =	vld [tilespmem:$0x960]  }
0x15c: {  	v2 =	vld [tilespmem:$0xD60];
	_ =	sdelay $0x3  }
0x15d: {  	s23 =	sld [smem:$0x7CB]  }
0x15e: {  	v1 =	vmul.f32 v2, v1;
	_ =	sdelay $0x1  }
0x15f: {  	[tilespmem:s23+$0x0] =	vst.add.f32.msk $0xffff, v1  }
0x160: {  	v1 =	vld [tilespmem:$0x970]  }
0x161: {  	v2 =	vld [tilespmem:$0xD70];
	_ =	sdelay $0x3  }
0x162: {  	s26 =	sld [smem:$0x7CC]  }
0x163: {  	v1 =	vmul.f32 v2, v1;
	_ =	sdelay $0x1  }
0x164: {  	[tilespmem:s26+$0x0] =	vst.add.f32.msk $0xffff, v1  }
0x165: {  	v1 =	vld [tilespmem:$0x980]  }
0x166: {  	v2 =	vld [tilespmem:$0xD80];
	_ =	sdelay $0x3  }
0x167: {  	s11 =	sld [smem:$0x7CD]  }
0x168: {  	v1 =	vmul.f32 v2, v1;
	_ =	sdelay $0x1  }
0x169: {  	[tilespmem:s11+$0x0] =	vst.add.f32.msk $0xffff, v1  }
0x16a: {  	v1 =	vld [tilespmem:$0x990]  }
0x16b: {  	v2 =	vld [tilespmem:$0xD90];
	_ =	sdelay $0x3  }
0x16c: {  	s19 =	sld [smem:$0x7CE]  }
0x16d: {  	v1 =	vmul.f32 v2, v1;
	_ =	sdelay $0x1  }
0x16e: {  	[tilespmem:s19+$0x0] =	vst.add.f32.msk $0xffff, v1  }
0x16f: {  	v1 =	vld [tilespmem:$0x9A0]  }
0x170: {  	v2 =	vld [tilespmem:$0xDA0];
	_ =	sdelay $0x3  }
0x171: {  	s23 =	sld [smem:$0x7CF]  }
0x172: {  	v1 =	vmul.f32 v2, v1;
	_ =	sdelay $0x1  }
0x173: {  	[tilespmem:s23+$0x0] =	vst.add.f32.msk $0xffff, v1  }
0x174: {  	v1 =	vld [tilespmem:$0x9B0]  }
0x175: {  	v2 =	vld [tilespmem:$0xDB0];
	_ =	sdelay $0x3  }
0x176: {  	s26 =	sld [smem:$0x7D0]  }
0x177: {  	v1 =	vmul.f32 v2, v1;
	_ =	sdelay $0x1  }
0x178: {  	[tilespmem:s26+$0x0] =	vst.add.f32.msk $0xffff, v1  }
0x179: {  	v1 =	vld [tilespmem:$0x9C0]  }
0x17a: {  	v2 =	vld [tilespmem:$0xDC0];
	_ =	sdelay $0x3  }
0x17b: {  	s11 =	sld [smem:$0x7D1]  }
0x17c: {  	v1 =	vmul.f32 v2, v1;
	_ =	sdelay $0x1  }
0x17d: {  	[tilespmem:s11+$0x0] =	vst.add.f32.msk $0xffff, v1  }
0x17e: {  	v1 =	vld [tilespmem:$0x9D0]  }
0x17f: {  	v2 =	vld [tilespmem:$0xDD0];
	_ =	sdelay $0x3  }
0x180: {  	s19 =	sld [smem:$0x7D2]  }
0x181: {  	v1 =	vmul.f32 v2, v1;
	_ =	sdelay $0x1  }
0x182: {  	[tilespmem:s19+$0x0] =	vst.add.f32.msk $0xffff, v1  }
0x183: {  	v1 =	vld [tilespmem:$0x9E0]  }
0x184: {  	v2 =	vld [tilespmem:$0xDE0];
	_ =	sdelay $0x3  }
0x185: {  	s23 =	sld [smem:$0x7D3]  }
0x186: {  	v1 =	vmul.f32 v2, v1;
	_ =	sdelay $0x1  }
0x187: {  	[tilespmem:s23+$0x0] =	vst.add.f32.msk $0xffff, v1  }
0x188: {  	v1 =	vld [tilespmem:$0x9F0]  }
0x189: {  	v2 =	vld [tilespmem:$0xDF0];
	_ =	sdelay $0x3  }
0x18a: {  	s26 =	sld [smem:$0x7D4]  }
0x18b: {  	v1 =	vmul.f32 v2, v1;
	_ =	sdelay $0x1  }
0x18c: {  	[tilespmem:s26+$0x0] =	vst.add.f32.msk $0xffff, v1  }
0x18d: {  	v1 =	vld [tilespmem:$0xA00]  }
0x18e: {  	v2 =	vld [tilespmem:$0xE00];
	_ =	sdelay $0x3  }
0x18f: {  	s11 =	sld [smem:$0x7D5]  }
0x190: {  	v1 =	vmul.f32 v2, v1;
	_ =	sdelay $0x1  }
0x191: {  	[tilespmem:s11+$0x0] =	vst.add.f32.msk $0xffff, v1  }
0x192: {  	v1 =	vld [tilespmem:$0xA10]  }
0x193: {  	v2 =	vld [tilespmem:$0xE10];
	_ =	sdelay $0x3  }
0x194: {  	s19 =	sld [smem:$0x7D6]  }
0x195: {  	v1 =	vmul.f32 v2, v1;
	_ =	sdelay $0x1  }
0x196: {  	[tilespmem:s19+$0x0] =	vst.add.f32.msk $0xffff, v1  }
0x197: {  	v1 =	vld [tilespmem:$0xA20]  }
0x198: {  	v2 =	vld [tilespmem:$0xE20];
	_ =	sdelay $0x3  }
0x199: {  	s23 =	sld [smem:$0x7D7]  }
0x19a: {  	v1 =	vmul.f32 v2, v1;
	_ =	sdelay $0x1  }
0x19b: {  	[tilespmem:s23+$0x0] =	vst.add.f32.msk $0xffff, v1  }
0x19c: {  	v1 =	vld [tilespmem:$0xA30]  }
0x19d: {  	v2 =	vld [tilespmem:$0xE30];
	_ =	sdelay $0x3  }
0x19e: {  	s26 =	sld [smem:$0x7D8]  }
0x19f: {  	v1 =	vmul.f32 v2, v1;
	_ =	sdelay $0x1  }
0x1a0: {  	[tilespmem:s26+$0x0] =	vst.add.f32.msk $0xffff, v1  }
0x1a1: {  	v1 =	vld [tilespmem:$0xA40]  }
0x1a2: {  	v2 =	vld [tilespmem:$0xE40];
	_ =	sdelay $0x3  }
0x1a3: {  	s11 =	sld [smem:$0x7D9]  }
0x1a4: {  	v1 =	vmul.f32 v2, v1;
	_ =	sdelay $0x1  }
0x1a5: {  	[tilespmem:s11+$0x0] =	vst.add.f32.msk $0xffff, v1  }
0x1a6: {  	v1 =	vld [tilespmem:$0xA50]  }
0x1a7: {  	v2 =	vld [tilespmem:$0xE50];
	_ =	sdelay $0x3  }
0x1a8: {  	s19 =	sld [smem:$0x7DA]  }
0x1a9: {  	v1 =	vmul.f32 v2, v1;
	_ =	sdelay $0x1  }
0x1aa: {  	[tilespmem:s19+$0x0] =	vst.add.f32.msk $0xffff, v1  }
0x1ab: {  	v1 =	vld [tilespmem:$0xA60]  }
0x1ac: {  	v2 =	vld [tilespmem:$0xE60];
	_ =	sdelay $0x3  }
0x1ad: {  	s23 =	sld [smem:$0x7DB]  }
0x1ae: {  	v1 =	vmul.f32 v2, v1;
	_ =	sdelay $0x1  }
0x1af: {  	[tilespmem:s23+$0x0] =	vst.add.f32.msk $0xffff, v1  }
0x1b0: {  	v1 =	vld [tilespmem:$0xA70]  }
0x1b1: {  	v2 =	vld [tilespmem:$0xE70];
	_ =	sdelay $0x3  }
0x1b2: {  	s26 =	sld [smem:$0x7DC]  }
0x1b3: {  	v1 =	vmul.f32 v2, v1;
	_ =	sdelay $0x1  }
0x1b4: {  	[tilespmem:s26+$0x0] =	vst.add.f32.msk $0xffff, v1  }
0x1b5: {  	v1 =	vld [tilespmem:$0xA80]  }
0x1b6: {  	v2 =	vld [tilespmem:$0xE80];
	_ =	sdelay $0x3  }
0x1b7: {  	s11 =	sld [smem:$0x7DD]  }
0x1b8: {  	v1 =	vmul.f32 v2, v1;
	_ =	sdelay $0x1  }
0x1b9: {  	[tilespmem:s11+$0x0] =	vst.add.f32.msk $0xffff, v1  }
0x1ba: {  	v1 =	vld [tilespmem:$0xA90]  }
0x1bb: {  	v2 =	vld [tilespmem:$0xE90];
	_ =	sdelay $0x3  }
0x1bc: {  	s19 =	sld [smem:$0x7DE]  }
0x1bd: {  	v1 =	vmul.f32 v2, v1;
	_ =	sdelay $0x1  }
0x1be: {  	[tilespmem:s19+$0x0] =	vst.add.f32.msk $0xffff, v1  }
0x1bf: {  	v1 =	vld [tilespmem:$0xAA0]  }
0x1c0: {  	v2 =	vld [tilespmem:$0xEA0];
	_ =	sdelay $0x3  }
0x1c1: {  	s23 =	sld [smem:$0x7DF]  }
0x1c2: {  	v1 =	vmul.f32 v2, v1;
	_ =	sdelay $0x1  }
0x1c3: {  	[tilespmem:s23+$0x0] =	vst.add.f32.msk $0xffff, v1  }
0x1c4: {  	v1 =	vld [tilespmem:$0xAB0]  }
0x1c5: {  	v2 =	vld [tilespmem:$0xEB0];
	_ =	sdelay $0x3  }
0x1c6: {  	s26 =	sld [smem:$0x7E0]  }
0x1c7: {  	v1 =	vmul.f32 v2, v1;
	_ =	sdelay $0x1  }
0x1c8: {  	[tilespmem:s26+$0x0] =	vst.add.f32.msk $0xffff, v1  }
0x1c9: {  	v1 =	vld [tilespmem:$0xAC0]  }
0x1ca: {  	v2 =	vld [tilespmem:$0xEC0];
	_ =	sdelay $0x3  }
0x1cb: {  	s11 =	sld [smem:$0x7E2]  }
0x1cc: {  	v1 =	vmul.f32 v2, v1;
	_ =	sdelay $0x1  }
0x1cd: {  	[tilespmem:s11+$0x0] =	vst.add.f32.msk $0xffff, v1  }
0x1ce: {  	v1 =	vld [tilespmem:$0xAD0]  }
0x1cf: {  	v2 =	vld [tilespmem:$0xED0];
	_ =	sdelay $0x3  }
0x1d0: {  	s19 =	sld [smem:$0x7E4]  }
0x1d1: {  	v1 =	vmul.f32 v2, v1;
	_ =	sdelay $0x1  }
0x1d2: {  	[tilespmem:s19+$0x0] =	vst.add.f32.msk $0xffff, v1  }
0x1d3: {  	v1 =	vld [tilespmem:$0xAE0]  }
0x1d4: {  	v2 =	vld [tilespmem:$0xEE0];
	_ =	sdelay $0x3  }
0x1d5: {  	s23 =	sld [smem:$0x7E6]  }
0x1d6: {  	v1 =	vmul.f32 v2, v1;
	_ =	sdelay $0x1  }
0x1d7: {  	[tilespmem:s23+$0x0] =	vst.add.f32.msk $0xffff, v1  }
0x1d8: {  	v1 =	vld [tilespmem:$0xAF0]  }
0x1d9: {  	v2 =	vld [tilespmem:$0xEF0];
	_ =	sdelay $0x3  }
0x1da: {  	s26 =	sld [smem:$0x7E7]  }
0x1db: {  	v1 =	vmul.f32 v2, v1;
	_ =	sdelay $0x1  }
0x1dc: {  	[tilespmem:s26+$0x0] =	vst.add.f32.msk $0xffff, v1  }
0x1dd: {  	v1 =	vld [tilespmem:$0xB00]  }
0x1de: {  	v2 =	vld [tilespmem:$0xF00];
	_ =	sdelay $0x3  }
0x1df: {  	s11 =	sld [smem:$0x7E8]  }
0x1e0: {  	v1 =	vmul.f32 v2, v1;
	_ =	sdelay $0x1  }
0x1e1: {  	[tilespmem:s11+$0x0] =	vst.add.f32.msk $0xffff, v1  }
0x1e2: {  	v1 =	vld [tilespmem:$0xB10]  }
0x1e3: {  	v2 =	vld [tilespmem:$0xF10];
	_ =	sdelay $0x3  }
0x1e4: {  	s19 =	sld [smem:$0x7EA]  }
0x1e5: {  	v1 =	vmul.f32 v2, v1;
	_ =	sdelay $0x1  }
0x1e6: {  	[tilespmem:s19+$0x0] =	vst.add.f32.msk $0xffff, v1  }
0x1e7: {  	v1 =	vld [tilespmem:$0xB20]  }
0x1e8: {  	v2 =	vld [tilespmem:$0xF20];
	_ =	sdelay $0x3  }
0x1e9: {  	s23 =	sld [smem:$0x7EB]  }
0x1ea: {  	v1 =	vmul.f32 v2, v1;
	_ =	sdelay $0x1  }
0x1eb: {  	[tilespmem:s23+$0x0] =	vst.add.f32.msk $0xffff, v1  }
0x1ec: {  	v1 =	vld [tilespmem:$0xB30]  }
0x1ed: {  	v2 =	vld [tilespmem:$0xF30];
	_ =	sdelay $0x3  }
0x1ee: {  	s26 =	sld [smem:$0x7EC]  }
0x1ef: {  	v1 =	vmul.f32 v2, v1;
	_ =	sdelay $0x1  }
0x1f0: {  	[tilespmem:s26+$0x0] =	vst.add.f32.msk $0xffff, v1  }
0x1f1: {  	v1 =	vld [tilespmem:$0xB40]  }
0x1f2: {  	v2 =	vld [tilespmem:$0xF40];
	_ =	sdelay $0x3  }
0x1f3: {  	s11 =	sld [smem:$0x7ED]  }
0x1f4: {  	v1 =	vmul.f32 v2, v1;
	_ =	sdelay $0x1  }
0x1f5: {  	[tilespmem:s11+$0x0] =	vst.add.f32.msk $0xffff, v1  }
0x1f6: {  	v1 =	vld [tilespmem:$0xB50]  }
0x1f7: {  	v2 =	vld [tilespmem:$0xF50];
	_ =	sdelay $0x3  }
0x1f8: {  	s19 =	sld [smem:$0x7EE]  }
0x1f9: {  	v1 =	vmul.f32 v2, v1;
	_ =	sdelay $0x1  }
0x1fa: {  	[tilespmem:s19+$0x0] =	vst.add.f32.msk $0xffff, v1  }
0x1fb: {  	v1 =	vld [tilespmem:$0xB60]  }
0x1fc: {  	v2 =	vld [tilespmem:$0xF60];
	_ =	sdelay $0x3  }
0x1fd: {  	s23 =	sld [smem:$0x7F0]  }
0x1fe: {  	v1 =	vmul.f32 v2, v1;
	_ =	sdelay $0x1  }
0x1ff: {  	[tilespmem:s23+$0x0] =	vst.add.f32.msk $0xffff, v1  }
0x200: {  	v1 =	vld [tilespmem:$0xB70]  }
0x201: {  	v2 =	vld [tilespmem:$0xF70];
	_ =	sdelay $0x3  }
0x202: {  	s26 =	sld [smem:$0x7F2]  }
0x203: {  	v1 =	vmul.f32 v2, v1;
	_ =	sdelay $0x1  }
0x204: {  	[tilespmem:s26+$0x0] =	vst.add.f32.msk $0xffff, v1  }
0x205: {  	v1 =	vld [tilespmem:$0xB80]  }
0x206: {  	v2 =	vld [tilespmem:$0xF80];
	_ =	sdelay $0x3  }
0x207: {  	s11 =	sld [smem:$0x7F5]  }
0x208: {  	v1 =	vmul.f32 v2, v1;
	_ =	sdelay $0x1  }
0x209: {  	[tilespmem:s11+$0x0] =	vst.add.f32.msk $0xffff, v1  }
0x20a: {  	v1 =	vld [tilespmem:$0xB90]  }
0x20b: {  	v2 =	vld [tilespmem:$0xF90];
	_ =	sdelay $0x3  }
0x20c: {  	s19 =	sld [smem:$0x7F6]  }
0x20d: {  	v1 =	vmul.f32 v2, v1;
	_ =	sdelay $0x1  }
0x20e: {  	[tilespmem:s19+$0x0] =	vst.add.f32.msk $0xffff, v1  }
0x20f: {  	v1 =	vld [tilespmem:$0xBA0]  }
0x210: {  	v2 =	vld [tilespmem:$0xFA0];
	_ =	sdelay $0x3  }
0x211: {  	s23 =	sld [smem:$0x7F7]  }
0x212: {  	v1 =	vmul.f32 v2, v1;
	_ =	sdelay $0x1  }
0x213: {  	[tilespmem:s23+$0x0] =	vst.add.f32.msk $0xffff, v1  }
0x214: {  	v1 =	vld [tilespmem:$0xBB0]  }
0x215: {  	v2 =	vld [tilespmem:$0xFB0];
	_ =	sdelay $0x3  }
0x216: {  	s26 =	sld [smem:$0x7F8]  }
0x217: {  	v1 =	vmul.f32 v2, v1;
	_ =	sdelay $0x1  }
0x218: {  	[tilespmem:s26+$0x0] =	vst.add.f32.msk $0xffff, v1  }
0x219: {  	v1 =	vld [tilespmem:$0xBC0]  }
0x21a: {  	v2 =	vld [tilespmem:$0xFC0];
	_ =	sdelay $0x3  }
0x21b: {  	s11 =	sld [smem:$0x7F9]  }
0x21c: {  	v1 =	vmul.f32 v2, v1;
	_ =	sdelay $0x1  }
0x21d: {  	[tilespmem:s11+$0x0] =	vst.add.f32.msk $0xffff, v1  }
0x21e: {  	v1 =	vld [tilespmem:$0xBD0]  }
0x21f: {  	v2 =	vld [tilespmem:$0xFD0];
	_ =	sdelay $0x3  }
0x220: {  	s19 =	sld [smem:$0x7FA]  }
0x221: {  	v1 =	vmul.f32 v2, v1;
	_ =	sdelay $0x1  }
0x222: {  	[tilespmem:s19+$0x0] =	vst.add.f32.msk $0xffff, v1  }
0x223: {  	v1 =	vld [tilespmem:$0xBE0]  }
0x224: {  	v2 =	vld [tilespmem:$0xFE0];
	_ =	sdelay $0x3  }
0x225: {  	s23 =	sld [smem:$0x7FB]  }
0x226: {  	v1 =	vmul.f32 v2, v1;
	_ =	sdelay $0x1  }
0x227: {  	[tilespmem:s23+$0x0] =	vst.add.f32.msk $0xffff, v1  }
0x228: {  	v1 =	vld [tilespmem:$0xBF0]  }
0x229: {  	v2 =	vld [tilespmem:$0xFF0]  }
0x22a: {  	s15 =	sadd.s32 $0x80, s15  }
0x22b: {  	p2 =	sne.s32 s15, $0x1000  }
.Ltmp0:
0x22c: {  	_ = 	snop;
	(pc) =	sbr.rel @p2 .LBB2_2-.Ltmp0, $4  }
0x22d: {  	s26 =	sld [smem:$0x7FC]  }
0x22e: {  	v1 =	vmul.f32 v2, v1  }
0x22f: {  	s16 =	sadd.s32 $0x8, s16;
	s13 =	sadd.s32 $0x1, s13;
	s17 =	sadd.s32 $0x8, s17  }
0x230: {  	s4 =	smov.u32 s5;
	s2 =	stileid.u32;
	s5 =	simm.s32 $0x0;
	[tilespmem:s26+$0x0] =	vst.add.f32.msk $0xffff, v1  }
0x231: {  	s1 =	sld [smem:$0x7FD];
	_ =	sdelay $0x1  }
0x232: {  	s7 =	simm.s32 $0x80;
	s8 =	simm.s32 $0x100  }
0x233: {  	[hbm4b:s1+s7] =	stream.strided.scatter [tilespmem:s22], [sflag:$0x4], $0x400, s8, s7, $0x38;
	[tilespmem:$0x1FCD0] =	vst v63  }
0x234: {  	s8 =	simm.s32 $0x4  }
0x235: {  	_ =	swait.ge [sflag:s8], $0x400  }
0x236: {  	s30 =	sld [smem:$0x7C6]  }
0x237: {  	s31 =	sld [smem:$0x7EF];
	_ =	sdelay $0x1  }
0x238: {  	s7 =	sadd.s32 $0x1, s30  }
0x239: {  	p2 =	sne.s32 s7, s31  }
.Ltmp1:
0x23a: {  	_ = 	snop;
	(pc) =	sbr.rel @p2 .LBB2_1-.Ltmp1, $3  }
0x23b: {  	_ =	sdelay $0x1  }
0x23c: {  	[sflag:s8] =	ssyncset.done $0x0  }
0x23d: {  	[sflag:s8] =	ssyncadd.s32 $0xFFFFFC00  }
0x23e: {  	_ =	sfence.sel $0x180000  }
0x23f: {  	[bflag:$0x0] =	sbarrier.arrive $0xFFFF  }
0x240: {  	_ =	strace $0x90000047  }
0x241: {  	[bflag:$0x2] =	sbarrier.arrive $0xFFFF  }
0x242: {  	p0 =	sne.s32 s2, $0x0;
	s0 =	rddreg [dreg:$0x8]  }
0x243: {  	s0 =	sadd.s32 @!p0 $0x100000, s0  }
0x244: {  	[sflag:s0] =	ssyncadd.tile.s32 @!p0 $0x1;
	_ =	shalt  }
.Lfunc_end2:
_tile_overlayer_lowered:
.L_overlay_start_2:
0x245: {  	(tag) =	ssettag $0x2  }
0x246: {  	s0 =	rddreg [dreg:$0x0];
	s2 =	stileid.u32  }
0x247: {  	s1 =	rddreg [dreg:$0x1];
	p0 =	sne.s32 s2, $0x0  }
0x248: {  	s3 =	rddreg [dreg:$0x2];
	[bflag:$0x3] =	sbarrier.arrive $0xFFFF;
	s2 =	simm.s32 @!p0 $0x1C04  }
0x249: {  	[timem:s3], [sflag:s2] =	dma.local @!p0 [hbm:s0], s1  }
0x24a: {  	s0 =	simm.s32 @!p0 $0x4  }
0x24b: {  	_ =	swait.ge @!p0 [sflag:s0], s1  }
0x24c: {  	s1 =	ssub.s32 @!p0 $0x0, s1;
	[sflag:s0] =	ssyncset.done @!p0 $0x0  }
0x24d: {  	[sflag:s0] =	ssyncadd.s32 @!p0 s1  }
0x24e: {  	[bflag:$0x3] =	sbarrier.arrive $0xFFFF  }
0x24f: {  	_ =	shalt  }

</sc_bundles>
